<compile_context>
chip_gen: v7x
topology: tpu7x:2x2x1
jax: 0.10.2.dev20260603
libtpu: 0.0.44.dev20260713+nightly
codegen_flags: <defaults>
</compile_context>

<pallas_src>
import functools

import jax
import jax.numpy as jnp
from jax import lax
from jax.experimental import pallas as pl
from jax.experimental.pallas import tpu as pltpu
from jax.experimental.pallas import tpu_sc as plsc


def _topk_body(k, chunk, nodes_ref, w_ref, idxn_ref):
    b = pl.program_id(0)
    N = nodes_ref.shape[1]
    x = nodes_ref[0]
    w = w_ref[...]
    s_row = lax.dot_general(w, x, (((0,), (1,)), ((), ())),
                            preferred_element_type=jnp.float32)
    s_col = jnp.transpose(s_row, (1, 0))
    r_iota = lax.broadcasted_iota(jnp.int32, (1, k), 1)
    j_iota = lax.broadcasted_iota(jnp.int32, (chunk, N), 1)
    idx_acc = jnp.zeros((1, k), dtype=jnp.int32)
    for ci in range(0, N, chunk):
        sc = s_col[ci:ci + chunk, :]
        i_col = ci + lax.broadcasted_iota(jnp.int32, (chunk, 1), 0)
        before = (s_row > sc) | ((s_row == sc) & (j_iota < i_col))
        rank = jnp.sum(jnp.where(before, 1.0, 0.0), axis=1,
                       keepdims=True).astype(jnp.int32)
        onehot = rank == r_iota
        contrib = jnp.where(onehot, i_col, 0)
        idx_acc = idx_acc + jnp.sum(contrib, axis=0, keepdims=True)
    idxn_ref[0] = idx_acc + b * N


def _topk_call(nodes, W, k, chunk=256):
    B, N, C = nodes.shape
    body = functools.partial(_topk_body, k, chunk)
    return pl.pallas_call(
        body,
        grid=(B,),
        in_specs=[
            pl.BlockSpec((1, N, C), lambda b: (b, 0, 0)),
            pl.BlockSpec((C, 1), lambda b: (0, 0)),
        ],
        out_specs=pl.BlockSpec((1, 1, k), lambda b: (b, 0, 0)),
        out_shape=jax.ShapeDtypeStruct((B, 1, k), jnp.int32),
    )(nodes, W)


def _gather_call(idxn, nodes_flat, adj_flat, k, rows_per_w, ch):
    BK = idxn.shape[0]
    C = nodes_flat.shape[1]
    N = adj_flat.shape[1]
    info = plsc.get_sparse_core_info()
    nc = info.num_cores

    mesh = plsc.VectorSubcoreMesh(core_axis_name="c", subcore_axis_name="s")

    @functools.partial(
        pl.kernel,
        mesh=mesh,
        out_type=[
            jax.ShapeDtypeStruct((BK, C), jnp.float32),
            jax.ShapeDtypeStruct((BK, k), jnp.float32),
        ],
        scratch_types=(
            [pltpu.VMEM((rows_per_w,), jnp.int32)]
            + [pltpu.VMEM((ch, C), jnp.float32)] * 3
            + [pltpu.VMEM((ch, k), jnp.float32)] * 3
            + [pltpu.SemaphoreType.DMA] * 12
        ),
    )
    def run(idxn_hbm, nodes_hbm, adj_hbm, outn_hbm, outa_hbm,
            idx_v, nb0, nb1, nb2, ab0, ab1, ab2,
            gn0, gn1, gn2, ga0, ga1, ga2,
            sn0, sn1, sn2, sa0, sa1, sa2):
        wid = lax.axis_index("s") * nc + lax.axis_index("c")
        base = wid * rows_per_w
        pltpu.sync_copy(idxn_hbm.at[pl.ds(base, rows_per_w)], idx_v)
        NB = 3
        nbufs, abufs = [nb0, nb1, nb2], [ab0, ab1, ab2]
        gns, gas = [gn0, gn1, gn2], [ga0, ga1, ga2]
        sns, sas = [sn0, sn1, sn2], [sa0, sa1, sa2]
        nch = rows_per_w // ch
        g_n = [None] * nch
        g_a = [None] * nch
        s_n = [None] * nch
        s_a = [None] * nch

        def start_gather(c):
            bi = c % NB
            ids = idx_v.at[pl.ds(c * ch, ch)]
            g_n[c] = pltpu.async_copy(nodes_hbm.at[ids], nbufs[bi],
                                      gns[bi])
            g_a[c] = pltpu.async_copy(adj_hbm.at[ids, pl.ds(0, k)],
                                      abufs[bi], gas[bi])

        for c0 in range(min(NB - 1, nch)):
            start_gather(c0)
        for c in range(nch):
            bi = c % NB
            nxt = c + NB - 1
            if nxt < nch:
                if c >= 1:
                    s_n[c - 1].wait()
                    s_a[c - 1].wait()
                start_gather(nxt)
            g_n[c].wait()
            g_a[c].wait()
            off = base + c * ch
            s_n[c] = pltpu.async_copy(nbufs[bi], outn_hbm.at[pl.ds(off, ch)],
                                      sns[bi])
            s_a[c] = pltpu.async_copy(abufs[bi],
                                      outa_hbm.at[pl.ds(off, ch)], sas[bi])
        for c in range(max(0, nch - NB), nch):
            s_n[c].wait()
            s_a[c].wait()

    return run(idxn, nodes_flat, adj_flat)


def kernel(nodes, adj_mat, W, b):
    B, N, C = nodes.shape
    k = N // 2
    idxn = _topk_call(nodes, W, k)
    nodes_flat = nodes.reshape(B * N, C)
    adj_flat = adj_mat.reshape(B * N, N)
    nw = 32
    out_n, out_a = _gather_call(
        idxn.reshape(B * k), nodes_flat, adj_flat, k,
        rows_per_w=(B * k) // nw, ch=32)
    return out_n.reshape(B, k, C), out_a.reshape(B, k, k)

# --- scband reference (transcript-rebuilt; emitter-appended) ---
"""Pipeline reference for scband-sag-pool-17179869620 (READ-ONLY COPY).

The authoritative reference and input builder live on the scoring server;
editing this copy changes nothing except your own understanding.
"""

import jax, jax.numpy as jnp
import numpy as np

B, N, C = 8, 2048, 256
RATIO = 0.5


def setup_inputs(seed: int = 0) -> dict:
    key = jax.random.key(seed)
    k1, k2, k3 = jax.random.split(key, 3)
    nodes = jax.random.normal(k1, (B, N, C), dtype=jnp.float32)
    adj_mat = jax.random.uniform(k2, (B, N, N), dtype=jnp.float32)
    # nn.Linear(in_channels, 1): weight [1, C], bias [1]; store as W [C, 1]
    W = jax.random.normal(k3, (C, 1), dtype=jnp.float32) * (1.0 / np.sqrt(C))
    b = jnp.zeros((1,), dtype=jnp.float32)
    return {"nodes": nodes, "adj_mat": adj_mat, "W": W, "b": b}


def reference(nodes, adj_mat, W, b):
    num_nodes = nodes.shape[1]
    # attn_weights = self.linear(nodes).squeeze(-1)  (note: Tanh is defined but never applied in forward)
    attn_weights = (nodes @ W + b)[..., 0]  # [B, N]
    k = int(num_nodes * RATIO)
    # torch.topk(largest=True, sorted=False): set of top-k indices; lax.top_k returns them sorted,
    # which is a valid ordering of the same top-k set.
    _, idx = jax.lax.top_k(attn_weights, k)  # [B, k]
    # nodes.gather(dim=1, idx expanded over feature dim)
    nodes_out = jnp.take_along_axis(nodes, idx[:, :, None], axis=1)  # [B, k, C]
    # adj_mat.gather(dim=1, index=idx.unsqueeze(-1).expand(-1,-1,k)) selects
    # adj_mat[b, idx[b,i], j] for j in range(k) -> slice first k columns then gather rows
    adj_out = jnp.take_along_axis(adj_mat[:, :, :k], idx[:, :, None], axis=1)  # [B, k, k]
    return (nodes_out, adj_out)

if __name__ == "__main__":
    import jax
    _d = setup_inputs()
    print(jax.jit(kernel)(*tuple(_d.values())))

</pallas_src>

<mosaic_0001>
#map = affine_map<(d0, d1) -> (0)>
#map1 = affine_map<(d0, d1) -> (0, 0)>
module attributes {stable_mosaic.version = 14 : i64} {
  func.func @run(%arg0: i32, %arg1: i32, %arg2: memref<8192xi32, #tpu.memory_space<hbm>>, %arg3: memref<16384x256xf32, #tpu.memory_space<hbm>>, %arg4: memref<16384x2048xf32, #tpu.memory_space<hbm>>, %arg5: memref<8192x256xf32, #tpu.memory_space<hbm>>, %arg6: memref<8192x1024xf32, #tpu.memory_space<hbm>>, %arg7: memref<256xi32, #tpu.memory_space<vmem>>, %arg8: memref<32x256xf32, #tpu.memory_space<vmem>>, %arg9: memref<32x256xf32, #tpu.memory_space<vmem>>, %arg10: memref<32x256xf32, #tpu.memory_space<vmem>>, %arg11: memref<32x1024xf32, #tpu.memory_space<vmem>>, %arg12: memref<32x1024xf32, #tpu.memory_space<vmem>>, %arg13: memref<32x1024xf32, #tpu.memory_space<vmem>>, %arg14: memref<!tpu.dma_semaphore, #tpu.memory_space<semaphore_mem>>, %arg15: memref<!tpu.dma_semaphore, #tpu.memory_space<semaphore_mem>>, %arg16: memref<!tpu.dma_semaphore, #tpu.memory_space<semaphore_mem>>, %arg17: memref<!tpu.dma_semaphore, #tpu.memory_space<semaphore_mem>>, %arg18: memref<!tpu.dma_semaphore, #tpu.memory_space<semaphore_mem>>, %arg19: memref<!tpu.dma_semaphore, #tpu.memory_space<semaphore_mem>>, %arg20: memref<!tpu.dma_semaphore, #tpu.memory_space<semaphore_mem>>, %arg21: memref<!tpu.dma_semaphore, #tpu.memory_space<semaphore_mem>>, %arg22: memref<!tpu.dma_semaphore, #tpu.memory_space<semaphore_mem>>, %arg23: memref<!tpu.dma_semaphore, #tpu.memory_space<semaphore_mem>>, %arg24: memref<!tpu.dma_semaphore, #tpu.memory_space<semaphore_mem>>, %arg25: memref<!tpu.dma_semaphore, #tpu.memory_space<semaphore_mem>>) attributes {dimension_semantics = [#tpu.dimension_semantics<core_parallel>, #tpu.dimension_semantics<subcore_parallel>], iteration_bounds = array<i64: 2, 16>, scalar_prefetch = 0 : i64, scratch_operands = 19 : i64, tpu.core_type = #tpu.core_type<sc_vector_subcore>, window_params = [{transform_indices = #map}, {transform_indices = #map1}, {transform_indices = #map1}, {transform_indices = #map1}, {transform_indices = #map1}]} {
    %mul3A = arith.constant 2 : i32
    %mul3A_0 = arith.muli %arg1, %mul3A : i32
    %add3A = arith.addi %mul3A_0, %arg0 : i32
    %mul3A_1 = arith.constant 256 : i32
    %mul3A_2 = arith.muli %add3A, %mul3A_1 : i32
    "tpu.region"() ({
      %run_scoped3A = tpu.sem_alloc : memref<!tpu.dma_semaphore, #tpu.memory_space<semaphore_mem>>
      %dma_start3A_305 = tpu.memref_slice %arg2[%mul3A_2] : memref<8192xi32, #tpu.memory_space<hbm>> -> memref<256xi32, #tpu.memory_space<hbm>>
      %dma_start3A_306 = tpu.memref_slice %arg2[%mul3A_2] : memref<8192xi32, #tpu.memory_space<hbm>> -> memref<256xi32, #tpu.memory_space<hbm>>
      tpu.enqueue_dma source(%dma_start3A_306 : memref<256xi32, #tpu.memory_space<hbm>>) target(%arg7 : memref<256xi32, #tpu.memory_space<vmem>>) target_semaphore(%run_scoped3A : memref<!tpu.dma_semaphore, #tpu.memory_space<semaphore_mem>>)
      %dma_wait3A_307 = tpu.memref_slice %arg2[%mul3A_2] : memref<8192xi32, #tpu.memory_space<hbm>> -> memref<256xi32, #tpu.memory_space<hbm>>
      %dma_wait3A_308 = tpu.memref_slice %arg2[%mul3A_2] : memref<8192xi32, #tpu.memory_space<hbm>> -> memref<256xi32, #tpu.memory_space<hbm>>
      tpu.wait_dma2 semaphore(%run_scoped3A : memref<!tpu.dma_semaphore, #tpu.memory_space<semaphore_mem>>) src(%dma_wait3A_308 : memref<256xi32, #tpu.memory_space<hbm>>) dst(%arg7 : memref<256xi32, #tpu.memory_space<vmem>>)
      tpu.yield
    }) : () -> ()
    %dma_start3A = arith.constant 0 : i32
    %dma_start3A_3 = tpu.memref_slice %arg7[%dma_start3A] : memref<256xi32, #tpu.memory_space<vmem>> -> memref<32xi32, #tpu.memory_space<vmem>>
    %dma_start3A_4 = arith.constant 0 : i32
    %dma_start3A_5 = arith.constant 0 : i32
    %dma_start3A_6 = tpu.memref_slice %arg3[%dma_start3A_4, %dma_start3A_5] : memref<16384x256xf32, #tpu.memory_space<hbm>> -> memref<16384x256xf32, #tpu.memory_space<hbm>>
    tpu.enqueue_indirect_dma source(%dma_start3A_6 : memref<16384x256xf32, #tpu.memory_space<hbm>>) target(%arg8 : memref<32x256xf32, #tpu.memory_space<vmem>>) offsets(%dma_start3A_3 : memref<32xi32, #tpu.memory_space<vmem>>) semaphore(%arg14 : memref<!tpu.dma_semaphore, #tpu.memory_space<semaphore_mem>>)
    %dma_start3A_7 = arith.constant 0 : i32
    %dma_start3A_8 = tpu.memref_slice %arg7[%dma_start3A_7] : memref<256xi32, #tpu.memory_space<vmem>> -> memref<32xi32, #tpu.memory_space<vmem>>
    %dma_start3A_9 = arith.constant 0 : i32
    %dma_start3A_10 = arith.constant 0 : i32
    %dma_start3A_11 = tpu.memref_slice %arg4[%dma_start3A_9, %dma_start3A_10] : memref<16384x2048xf32, #tpu.memory_space<hbm>> -> memref<16384x1024xf32, #tpu.memory_space<hbm>>
    tpu.enqueue_indirect_dma source(%dma_start3A_11 : memref<16384x1024xf32, #tpu.memory_space<hbm>>) target(%arg11 : memref<32x1024xf32, #tpu.memory_space<vmem>>) offsets(%dma_start3A_8 : memref<32xi32, #tpu.memory_space<vmem>>) semaphore(%arg17 : memref<!tpu.dma_semaphore, #tpu.memory_space<semaphore_mem>>)
    %dma_start3A_12 = arith.constant 32 : i32
    %dma_start3A_13 = tpu.memref_slice %arg7[%dma_start3A_12] : memref<256xi32, #tpu.memory_space<vmem>> -> memref<32xi32, #tpu.memory_space<vmem>>
    %dma_start3A_14 = arith.constant 0 : i32
    %dma_start3A_15 = arith.constant 0 : i32
    %dma_start3A_16 = tpu.memref_slice %arg3[%dma_start3A_14, %dma_start3A_15] : memref<16384x256xf32, #tpu.memory_space<hbm>> -> memref<16384x256xf32, #tpu.memory_space<hbm>>
    tpu.enqueue_indirect_dma source(%dma_start3A_16 : memref<16384x256xf32, #tpu.memory_space<hbm>>) target(%arg9 : memref<32x256xf32, #tpu.memory_space<vmem>>) offsets(%dma_start3A_13 : memref<32xi32, #tpu.memory_space<vmem>>) semaphore(%arg15 : memref<!tpu.dma_semaphore, #tpu.memory_space<semaphore_mem>>)
    %dma_start3A_17 = arith.constant 32 : i32
    %dma_start3A_18 = tpu.memref_slice %arg7[%dma_start3A_17] : memref<256xi32, #tpu.memory_space<vmem>> -> memref<32xi32, #tpu.memory_space<vmem>>
    %dma_start3A_19 = arith.constant 0 : i32
    %dma_start3A_20 = arith.constant 0 : i32
    %dma_start3A_21 = tpu.memref_slice %arg4[%dma_start3A_19, %dma_start3A_20] : memref<16384x2048xf32, #tpu.memory_space<hbm>> -> memref<16384x1024xf32, #tpu.memory_space<hbm>>
    tpu.enqueue_indirect_dma source(%dma_start3A_21 : memref<16384x1024xf32, #tpu.memory_space<hbm>>) target(%arg12 : memref<32x1024xf32, #tpu.memory_space<vmem>>) offsets(%dma_start3A_18 : memref<32xi32, #tpu.memory_space<vmem>>) semaphore(%arg18 : memref<!tpu.dma_semaphore, #tpu.memory_space<semaphore_mem>>)
    %dma_start3A_22 = arith.constant 64 : i32
    %dma_start3A_23 = tpu.memref_slice %arg7[%dma_start3A_22] : memref<256xi32, #tpu.memory_space<vmem>> -> memref<32xi32, #tpu.memory_space<vmem>>
    %dma_start3A_24 = arith.constant 0 : i32
    %dma_start3A_25 = arith.constant 0 : i32
    %dma_start3A_26 = tpu.memref_slice %arg3[%dma_start3A_24, %dma_start3A_25] : memref<16384x256xf32, #tpu.memory_space<hbm>> -> memref<16384x256xf32, #tpu.memory_space<hbm>>
    tpu.enqueue_indirect_dma source(%dma_start3A_26 : memref<16384x256xf32, #tpu.memory_space<hbm>>) target(%arg10 : memref<32x256xf32, #tpu.memory_space<vmem>>) offsets(%dma_start3A_23 : memref<32xi32, #tpu.memory_space<vmem>>) semaphore(%arg16 : memref<!tpu.dma_semaphore, #tpu.memory_space<semaphore_mem>>)
    %dma_start3A_27 = arith.constant 64 : i32
    %dma_start3A_28 = tpu.memref_slice %arg7[%dma_start3A_27] : memref<256xi32, #tpu.memory_space<vmem>> -> memref<32xi32, #tpu.memory_space<vmem>>
    %dma_start3A_29 = arith.constant 0 : i32
    %dma_start3A_30 = arith.constant 0 : i32
    %dma_start3A_31 = tpu.memref_slice %arg4[%dma_start3A_29, %dma_start3A_30] : memref<16384x2048xf32, #tpu.memory_space<hbm>> -> memref<16384x1024xf32, #tpu.memory_space<hbm>>
    tpu.enqueue_indirect_dma source(%dma_start3A_31 : memref<16384x1024xf32, #tpu.memory_space<hbm>>) target(%arg13 : memref<32x1024xf32, #tpu.memory_space<vmem>>) offsets(%dma_start3A_28 : memref<32xi32, #tpu.memory_space<vmem>>) semaphore(%arg19 : memref<!tpu.dma_semaphore, #tpu.memory_space<semaphore_mem>>)
    %dma_wait3A = arith.constant 0 : i32
    %dma_wait3A_32 = tpu.memref_slice %arg7[%dma_wait3A] : memref<256xi32, #tpu.memory_space<vmem>> -> memref<32xi32, #tpu.memory_space<vmem>>
    %dma_wait3A_33 = arith.constant 0 : i32
    %dma_wait3A_34 = arith.constant 0 : i32
    %dma_wait3A_35 = tpu.memref_slice %arg3[%dma_wait3A_33, %dma_wait3A_34] : memref<16384x256xf32, #tpu.memory_space<hbm>> -> memref<16384x256xf32, #tpu.memory_space<hbm>>
    tpu.wait_indirect_dma semaphore(%arg14 : memref<!tpu.dma_semaphore, #tpu.memory_space<semaphore_mem>>) src(%dma_wait3A_35 : memref<16384x256xf32, #tpu.memory_space<hbm>>) dst(%arg8 : memref<32x256xf32, #tpu.memory_space<vmem>>)
    %dma_wait3A_36 = arith.constant 0 : i32
    %dma_wait3A_37 = tpu.memref_slice %arg7[%dma_wait3A_36] : memref<256xi32, #tpu.memory_space<vmem>> -> memref<32xi32, #tpu.memory_space<vmem>>
    %dma_wait3A_38 = arith.constant 0 : i32
    %dma_wait3A_39 = arith.constant 0 : i32
    %dma_wait3A_40 = tpu.memref_slice %arg4[%dma_wait3A_38, %dma_wait3A_39] : memref<16384x2048xf32, #tpu.memory_space<hbm>> -> memref<16384x1024xf32, #tpu.memory_space<hbm>>
    tpu.wait_indirect_dma semaphore(%arg17 : memref<!tpu.dma_semaphore, #tpu.memory_space<semaphore_mem>>) src(%dma_wait3A_40 : memref<16384x1024xf32, #tpu.memory_space<hbm>>) dst(%arg11 : memref<32x1024xf32, #tpu.memory_space<vmem>>)
    %add3A_41 = arith.constant 0 : i32
    %add3A_42 = arith.addi %mul3A_2, %add3A_41 : i32
    %dma_start3A_43 = arith.constant 0 : i32
    %dma_start3A_44 = tpu.memref_slice %arg5[%add3A_42, %dma_start3A_43] : memref<8192x256xf32, #tpu.memory_space<hbm>> -> memref<32x256xf32, #tpu.memory_space<hbm>>
    %dma_start3A_45 = arith.constant 0 : i32
    %dma_start3A_46 = tpu.memref_slice %arg5[%add3A_42, %dma_start3A_45] : memref<8192x256xf32, #tpu.memory_space<hbm>> -> memref<32x256xf32, #tpu.memory_space<hbm>>
    tpu.enqueue_dma source(%arg8 : memref<32x256xf32, #tpu.memory_space<vmem>>) target(%dma_start3A_46 : memref<32x256xf32, #tpu.memory_space<hbm>>) target_semaphore(%arg20 : memref<!tpu.dma_semaphore, #tpu.memory_space<semaphore_mem>>)
    %dma_start3A_47 = arith.constant 0 : i32
    %dma_start3A_48 = tpu.memref_slice %arg6[%add3A_42, %dma_start3A_47] : memref<8192x1024xf32, #tpu.memory_space<hbm>> -> memref<32x1024xf32, #tpu.memory_space<hbm>>
    %dma_start3A_49 = arith.constant 0 : i32
    %dma_start3A_50 = tpu.memref_slice %arg6[%add3A_42, %dma_start3A_49] : memref<8192x1024xf32, #tpu.memory_space<hbm>> -> memref<32x1024xf32, #tpu.memory_space<hbm>>
    tpu.enqueue_dma source(%arg11 : memref<32x1024xf32, #tpu.memory_space<vmem>>) target(%dma_start3A_50 : memref<32x1024xf32, #tpu.memory_space<hbm>>) target_semaphore(%arg23 : memref<!tpu.dma_semaphore, #tpu.memory_space<semaphore_mem>>)
    %dma_wait3A_51 = arith.constant 0 : i32
    %dma_wait3A_52 = tpu.memref_slice %arg5[%add3A_42, %dma_wait3A_51] : memref<8192x256xf32, #tpu.memory_space<hbm>> -> memref<32x256xf32, #tpu.memory_space<hbm>>
    %dma_wait3A_53 = arith.constant 0 : i32
    %dma_wait3A_54 = tpu.memref_slice %arg5[%add3A_42, %dma_wait3A_53] : memref<8192x256xf32, #tpu.memory_space<hbm>> -> memref<32x256xf32, #tpu.memory_space<hbm>>
    tpu.wait_dma2 semaphore(%arg20 : memref<!tpu.dma_semaphore, #tpu.memory_space<semaphore_mem>>) src(%arg8 : memref<32x256xf32, #tpu.memory_space<vmem>>) dst(%dma_wait3A_54 : memref<32x256xf32, #tpu.memory_space<hbm>>)
    %dma_wait3A_55 = arith.constant 0 : i32
    %dma_wait3A_56 = tpu.memref_slice %arg6[%add3A_42, %dma_wait3A_55] : memref<8192x1024xf32, #tpu.memory_space<hbm>> -> memref<32x1024xf32, #tpu.memory_space<hbm>>
    %dma_wait3A_57 = arith.constant 0 : i32
    %dma_wait3A_58 = tpu.memref_slice %arg6[%add3A_42, %dma_wait3A_57] : memref<8192x1024xf32, #tpu.memory_space<hbm>> -> memref<32x1024xf32, #tpu.memory_space<hbm>>
    tpu.wait_dma2 semaphore(%arg23 : memref<!tpu.dma_semaphore, #tpu.memory_space<semaphore_mem>>) src(%arg11 : memref<32x1024xf32, #tpu.memory_space<vmem>>) dst(%dma_wait3A_58 : memref<32x1024xf32, #tpu.memory_space<hbm>>)
    %dma_start3A_59 = arith.constant 96 : i32
    %dma_start3A_60 = tpu.memref_slice %arg7[%dma_start3A_59] : memref<256xi32, #tpu.memory_space<vmem>> -> memref<32xi32, #tpu.memory_space<vmem>>
    %dma_start3A_61 = arith.constant 0 : i32
    %dma_start3A_62 = arith.constant 0 : i32
    %dma_start3A_63 = tpu.memref_slice %arg3[%dma_start3A_61, %dma_start3A_62] : memref<16384x256xf32, #tpu.memory_space<hbm>> -> memref<16384x256xf32, #tpu.memory_space<hbm>>
    tpu.enqueue_indirect_dma source(%dma_start3A_63 : memref<16384x256xf32, #tpu.memory_space<hbm>>) target(%arg8 : memref<32x256xf32, #tpu.memory_space<vmem>>) offsets(%dma_start3A_60 : memref<32xi32, #tpu.memory_space<vmem>>) semaphore(%arg14 : memref<!tpu.dma_semaphore, #tpu.memory_space<semaphore_mem>>)
    %dma_start3A_64 = arith.constant 96 : i32
    %dma_start3A_65 = tpu.memref_slice %arg7[%dma_start3A_64] : memref<256xi32, #tpu.memory_space<vmem>> -> memref<32xi32, #tpu.memory_space<vmem>>
    %dma_start3A_66 = arith.constant 0 : i32
    %dma_start3A_67 = arith.constant 0 : i32
    %dma_start3A_68 = tpu.memref_slice %arg4[%dma_start3A_66, %dma_start3A_67] : memref<16384x2048xf32, #tpu.memory_space<hbm>> -> memref<16384x1024xf32, #tpu.memory_space<hbm>>
    tpu.enqueue_indirect_dma source(%dma_start3A_68 : memref<16384x1024xf32, #tpu.memory_space<hbm>>) target(%arg11 : memref<32x1024xf32, #tpu.memory_space<vmem>>) offsets(%dma_start3A_65 : memref<32xi32, #tpu.memory_space<vmem>>) semaphore(%arg17 : memref<!tpu.dma_semaphore, #tpu.memory_space<semaphore_mem>>)
    %dma_wait3A_69 = arith.constant 32 : i32
    %dma_wait3A_70 = tpu.memref_slice %arg7[%dma_wait3A_69] : memref<256xi32, #tpu.memory_space<vmem>> -> memref<32xi32, #tpu.memory_space<vmem>>
    %dma_wait3A_71 = arith.constant 0 : i32
    %dma_wait3A_72 = arith.constant 0 : i32
    %dma_wait3A_73 = tpu.memref_slice %arg3[%dma_wait3A_71, %dma_wait3A_72] : memref<16384x256xf32, #tpu.memory_space<hbm>> -> memref<16384x256xf32, #tpu.memory_space<hbm>>
    tpu.wait_indirect_dma semaphore(%arg15 : memref<!tpu.dma_semaphore, #tpu.memory_space<semaphore_mem>>) src(%dma_wait3A_73 : memref<16384x256xf32, #tpu.memory_space<hbm>>) dst(%arg9 : memref<32x256xf32, #tpu.memory_space<vmem>>)
    %dma_wait3A_74 = arith.constant 32 : i32
    %dma_wait3A_75 = tpu.memref_slice %arg7[%dma_wait3A_74] : memref<256xi32, #tpu.memory_space<vmem>> -> memref<32xi32, #tpu.memory_space<vmem>>
    %dma_wait3A_76 = arith.constant 0 : i32
    %dma_wait3A_77 = arith.constant 0 : i32
    %dma_wait3A_78 = tpu.memref_slice %arg4[%dma_wait3A_76, %dma_wait3A_77] : memref<16384x2048xf32, #tpu.memory_space<hbm>> -> memref<16384x1024xf32, #tpu.memory_space<hbm>>
    tpu.wait_indirect_dma semaphore(%arg18 : memref<!tpu.dma_semaphore, #tpu.memory_space<semaphore_mem>>) src(%dma_wait3A_78 : memref<16384x1024xf32, #tpu.memory_space<hbm>>) dst(%arg12 : memref<32x1024xf32, #tpu.memory_space<vmem>>)
    %add3A_79 = arith.constant 32 : i32
    %add3A_80 = arith.addi %mul3A_2, %add3A_79 : i32
    %dma_start3A_81 = arith.constant 0 : i32
    %dma_start3A_82 = tpu.memref_slice %arg5[%add3A_80, %dma_start3A_81] : memref<8192x256xf32, #tpu.memory_space<hbm>> -> memref<32x256xf32, #tpu.memory_space<hbm>>
    %dma_start3A_83 = arith.constant 0 : i32
    %dma_start3A_84 = tpu.memref_slice %arg5[%add3A_80, %dma_start3A_83] : memref<8192x256xf32, #tpu.memory_space<hbm>> -> memref<32x256xf32, #tpu.memory_space<hbm>>
    tpu.enqueue_dma source(%arg9 : memref<32x256xf32, #tpu.memory_space<vmem>>) target(%dma_start3A_84 : memref<32x256xf32, #tpu.memory_space<hbm>>) target_semaphore(%arg21 : memref<!tpu.dma_semaphore, #tpu.memory_space<semaphore_mem>>)
    %dma_start3A_85 = arith.constant 0 : i32
    %dma_start3A_86 = tpu.memref_slice %arg6[%add3A_80, %dma_start3A_85] : memref<8192x1024xf32, #tpu.memory_space<hbm>> -> memref<32x1024xf32, #tpu.memory_space<hbm>>
    %dma_start3A_87 = arith.constant 0 : i32
    %dma_start3A_88 = tpu.memref_slice %arg6[%add3A_80, %dma_start3A_87] : memref<8192x1024xf32, #tpu.memory_space<hbm>> -> memref<32x1024xf32, #tpu.memory_space<hbm>>
    tpu.enqueue_dma source(%arg12 : memref<32x1024xf32, #tpu.memory_space<vmem>>) target(%dma_start3A_88 : memref<32x1024xf32, #tpu.memory_space<hbm>>) target_semaphore(%arg24 : memref<!tpu.dma_semaphore, #tpu.memory_space<semaphore_mem>>)
    %dma_wait3A_89 = arith.constant 0 : i32
    %dma_wait3A_90 = tpu.memref_slice %arg5[%add3A_80, %dma_wait3A_89] : memref<8192x256xf32, #tpu.memory_space<hbm>> -> memref<32x256xf32, #tpu.memory_space<hbm>>
    %dma_wait3A_91 = arith.constant 0 : i32
    %dma_wait3A_92 = tpu.memref_slice %arg5[%add3A_80, %dma_wait3A_91] : memref<8192x256xf32, #tpu.memory_space<hbm>> -> memref<32x256xf32, #tpu.memory_space<hbm>>
    tpu.wait_dma2 semaphore(%arg21 : memref<!tpu.dma_semaphore, #tpu.memory_space<semaphore_mem>>) src(%arg9 : memref<32x256xf32, #tpu.memory_space<vmem>>) dst(%dma_wait3A_92 : memref<32x256xf32, #tpu.memory_space<hbm>>)
    %dma_wait3A_93 = arith.constant 0 : i32
    %dma_wait3A_94 = tpu.memref_slice %arg6[%add3A_80, %dma_wait3A_93] : memref<8192x1024xf32, #tpu.memory_space<hbm>> -> memref<32x1024xf32, #tpu.memory_space<hbm>>
    %dma_wait3A_95 = arith.constant 0 : i32
    %dma_wait3A_96 = tpu.memref_slice %arg6[%add3A_80, %dma_wait3A_95] : memref<8192x1024xf32, #tpu.memory_space<hbm>> -> memref<32x1024xf32, #tpu.memory_space<hbm>>
    tpu.wait_dma2 semaphore(%arg24 : memref<!tpu.dma_semaphore, #tpu.memory_space<semaphore_mem>>) src(%arg12 : memref<32x1024xf32, #tpu.memory_space<vmem>>) dst(%dma_wait3A_96 : memref<32x1024xf32, #tpu.memory_space<hbm>>)
    %dma_start3A_97 = arith.constant 128 : i32
    %dma_start3A_98 = tpu.memref_slice %arg7[%dma_start3A_97] : memref<256xi32, #tpu.memory_space<vmem>> -> memref<32xi32, #tpu.memory_space<vmem>>
    %dma_start3A_99 = arith.constant 0 : i32
    %dma_start3A_100 = arith.constant 0 : i32
    %dma_start3A_101 = tpu.memref_slice %arg3[%dma_start3A_99, %dma_start3A_100] : memref<16384x256xf32, #tpu.memory_space<hbm>> -> memref<16384x256xf32, #tpu.memory_space<hbm>>
    tpu.enqueue_indirect_dma source(%dma_start3A_101 : memref<16384x256xf32, #tpu.memory_space<hbm>>) target(%arg9 : memref<32x256xf32, #tpu.memory_space<vmem>>) offsets(%dma_start3A_98 : memref<32xi32, #tpu.memory_space<vmem>>) semaphore(%arg15 : memref<!tpu.dma_semaphore, #tpu.memory_space<semaphore_mem>>)
    %dma_start3A_102 = arith.constant 128 : i32
    %dma_start3A_103 = tpu.memref_slice %arg7[%dma_start3A_102] : memref<256xi32, #tpu.memory_space<vmem>> -> memref<32xi32, #tpu.memory_space<vmem>>
    %dma_start3A_104 = arith.constant 0 : i32
    %dma_start3A_105 = arith.constant 0 : i32
    %dma_start3A_106 = tpu.memref_slice %arg4[%dma_start3A_104, %dma_start3A_105] : memref<16384x2048xf32, #tpu.memory_space<hbm>> -> memref<16384x1024xf32, #tpu.memory_space<hbm>>
    tpu.enqueue_indirect_dma source(%dma_start3A_106 : memref<16384x1024xf32, #tpu.memory_space<hbm>>) target(%arg12 : memref<32x1024xf32, #tpu.memory_space<vmem>>) offsets(%dma_start3A_103 : memref<32xi32, #tpu.memory_space<vmem>>) semaphore(%arg18 : memref<!tpu.dma_semaphore, #tpu.memory_space<semaphore_mem>>)
    %dma_wait3A_107 = arith.constant 64 : i32
    %dma_wait3A_108 = tpu.memref_slice %arg7[%dma_wait3A_107] : memref<256xi32, #tpu.memory_space<vmem>> -> memref<32xi32, #tpu.memory_space<vmem>>
    %dma_wait3A_109 = arith.constant 0 : i32
    %dma_wait3A_110 = arith.constant 0 : i32
    %dma_wait3A_111 = tpu.memref_slice %arg3[%dma_wait3A_109, %dma_wait3A_110] : memref<16384x256xf32, #tpu.memory_space<hbm>> -> memref<16384x256xf32, #tpu.memory_space<hbm>>
    tpu.wait_indirect_dma semaphore(%arg16 : memref<!tpu.dma_semaphore, #tpu.memory_space<semaphore_mem>>) src(%dma_wait3A_111 : memref<16384x256xf32, #tpu.memory_space<hbm>>) dst(%arg10 : memref<32x256xf32, #tpu.memory_space<vmem>>)
    %dma_wait3A_112 = arith.constant 64 : i32
    %dma_wait3A_113 = tpu.memref_slice %arg7[%dma_wait3A_112] : memref<256xi32, #tpu.memory_space<vmem>> -> memref<32xi32, #tpu.memory_space<vmem>>
    %dma_wait3A_114 = arith.constant 0 : i32
    %dma_wait3A_115 = arith.constant 0 : i32
    %dma_wait3A_116 = tpu.memref_slice %arg4[%dma_wait3A_114, %dma_wait3A_115] : memref<16384x2048xf32, #tpu.memory_space<hbm>> -> memref<16384x1024xf32, #tpu.memory_space<hbm>>
    tpu.wait_indirect_dma semaphore(%arg19 : memref<!tpu.dma_semaphore, #tpu.memory_space<semaphore_mem>>) src(%dma_wait3A_116 : memref<16384x1024xf32, #tpu.memory_space<hbm>>) dst(%arg13 : memref<32x1024xf32, #tpu.memory_space<vmem>>)
    %add3A_117 = arith.constant 64 : i32
    %add3A_118 = arith.addi %mul3A_2, %add3A_117 : i32
    %dma_start3A_119 = arith.constant 0 : i32
    %dma_start3A_120 = tpu.memref_slice %arg5[%add3A_118, %dma_start3A_119] : memref<8192x256xf32, #tpu.memory_space<hbm>> -> memref<32x256xf32, #tpu.memory_space<hbm>>
    %dma_start3A_121 = arith.constant 0 : i32
    %dma_start3A_122 = tpu.memref_slice %arg5[%add3A_118, %dma_start3A_121] : memref<8192x256xf32, #tpu.memory_space<hbm>> -> memref<32x256xf32, #tpu.memory_space<hbm>>
    tpu.enqueue_dma source(%arg10 : memref<32x256xf32, #tpu.memory_space<vmem>>) target(%dma_start3A_122 : memref<32x256xf32, #tpu.memory_space<hbm>>) target_semaphore(%arg22 : memref<!tpu.dma_semaphore, #tpu.memory_space<semaphore_mem>>)
    %dma_start3A_123 = arith.constant 0 : i32
    %dma_start3A_124 = tpu.memref_slice %arg6[%add3A_118, %dma_start3A_123] : memref<8192x1024xf32, #tpu.memory_space<hbm>> -> memref<32x1024xf32, #tpu.memory_space<hbm>>
    %dma_start3A_125 = arith.constant 0 : i32
    %dma_start3A_126 = tpu.memref_slice %arg6[%add3A_118, %dma_start3A_125] : memref<8192x1024xf32, #tpu.memory_space<hbm>> -> memref<32x1024xf32, #tpu.memory_space<hbm>>
    tpu.enqueue_dma source(%arg13 : memref<32x1024xf32, #tpu.memory_space<vmem>>) target(%dma_start3A_126 : memref<32x1024xf32, #tpu.memory_space<hbm>>) target_semaphore(%arg25 : memref<!tpu.dma_semaphore, #tpu.memory_space<semaphore_mem>>)
    %dma_wait3A_127 = arith.constant 0 : i32
    %dma_wait3A_128 = tpu.memref_slice %arg5[%add3A_118, %dma_wait3A_127] : memref<8192x256xf32, #tpu.memory_space<hbm>> -> memref<32x256xf32, #tpu.memory_space<hbm>>
    %dma_wait3A_129 = arith.constant 0 : i32
    %dma_wait3A_130 = tpu.memref_slice %arg5[%add3A_118, %dma_wait3A_129] : memref<8192x256xf32, #tpu.memory_space<hbm>> -> memref<32x256xf32, #tpu.memory_space<hbm>>
    tpu.wait_dma2 semaphore(%arg22 : memref<!tpu.dma_semaphore, #tpu.memory_space<semaphore_mem>>) src(%arg10 : memref<32x256xf32, #tpu.memory_space<vmem>>) dst(%dma_wait3A_130 : memref<32x256xf32, #tpu.memory_space<hbm>>)
    %dma_wait3A_131 = arith.constant 0 : i32
    %dma_wait3A_132 = tpu.memref_slice %arg6[%add3A_118, %dma_wait3A_131] : memref<8192x1024xf32, #tpu.memory_space<hbm>> -> memref<32x1024xf32, #tpu.memory_space<hbm>>
    %dma_wait3A_133 = arith.constant 0 : i32
    %dma_wait3A_134 = tpu.memref_slice %arg6[%add3A_118, %dma_wait3A_133] : memref<8192x1024xf32, #tpu.memory_space<hbm>> -> memref<32x1024xf32, #tpu.memory_space<hbm>>
    tpu.wait_dma2 semaphore(%arg25 : memref<!tpu.dma_semaphore, #tpu.memory_space<semaphore_mem>>) src(%arg13 : memref<32x1024xf32, #tpu.memory_space<vmem>>) dst(%dma_wait3A_134 : memref<32x1024xf32, #tpu.memory_space<hbm>>)
    %dma_start3A_135 = arith.constant 160 : i32
    %dma_start3A_136 = tpu.memref_slice %arg7[%dma_start3A_135] : memref<256xi32, #tpu.memory_space<vmem>> -> memref<32xi32, #tpu.memory_space<vmem>>
    %dma_start3A_137 = arith.constant 0 : i32
    %dma_start3A_138 = arith.constant 0 : i32
    %dma_start3A_139 = tpu.memref_slice %arg3[%dma_start3A_137, %dma_start3A_138] : memref<16384x256xf32, #tpu.memory_space<hbm>> -> memref<16384x256xf32, #tpu.memory_space<hbm>>
    tpu.enqueue_indirect_dma source(%dma_start3A_139 : memref<16384x256xf32, #tpu.memory_space<hbm>>) target(%arg10 : memref<32x256xf32, #tpu.memory_space<vmem>>) offsets(%dma_start3A_136 : memref<32xi32, #tpu.memory_space<vmem>>) semaphore(%arg16 : memref<!tpu.dma_semaphore, #tpu.memory_space<semaphore_mem>>)
    %dma_start3A_140 = arith.constant 160 : i32
    %dma_start3A_141 = tpu.memref_slice %arg7[%dma_start3A_140] : memref<256xi32, #tpu.memory_space<vmem>> -> memref<32xi32, #tpu.memory_space<vmem>>
    %dma_start3A_142 = arith.constant 0 : i32
    %dma_start3A_143 = arith.constant 0 : i32
    %dma_start3A_144 = tpu.memref_slice %arg4[%dma_start3A_142, %dma_start3A_143] : memref<16384x2048xf32, #tpu.memory_space<hbm>> -> memref<16384x1024xf32, #tpu.memory_space<hbm>>
    tpu.enqueue_indirect_dma source(%dma_start3A_144 : memref<16384x1024xf32, #tpu.memory_space<hbm>>) target(%arg13 : memref<32x1024xf32, #tpu.memory_space<vmem>>) offsets(%dma_start3A_141 : memref<32xi32, #tpu.memory_space<vmem>>) semaphore(%arg19 : memref<!tpu.dma_semaphore, #tpu.memory_space<semaphore_mem>>)
    %dma_wait3A_145 = arith.constant 96 : i32
    %dma_wait3A_146 = tpu.memref_slice %arg7[%dma_wait3A_145] : memref<256xi32, #tpu.memory_space<vmem>> -> memref<32xi32, #tpu.memory_space<vmem>>
    %dma_wait3A_147 = arith.constant 0 : i32
    %dma_wait3A_148 = arith.constant 0 : i32
    %dma_wait3A_149 = tpu.memref_slice %arg3[%dma_wait3A_147, %dma_wait3A_148] : memref<16384x256xf32, #tpu.memory_space<hbm>> -> memref<16384x256xf32, #tpu.memory_space<hbm>>
    tpu.wait_indirect_dma semaphore(%arg14 : memref<!tpu.dma_semaphore, #tpu.memory_space<semaphore_mem>>) src(%dma_wait3A_149 : memref<16384x256xf32, #tpu.memory_space<hbm>>) dst(%arg8 : memref<32x256xf32, #tpu.memory_space<vmem>>)
    %dma_wait3A_150 = arith.constant 96 : i32
    %dma_wait3A_151 = tpu.memref_slice %arg7[%dma_wait3A_150] : memref<256xi32, #tpu.memory_space<vmem>> -> memref<32xi32, #tpu.memory_space<vmem>>
    %dma_wait3A_152 = arith.constant 0 : i32
    %dma_wait3A_153 = arith.constant 0 : i32
    %dma_wait3A_154 = tpu.memref_slice %arg4[%dma_wait3A_152, %dma_wait3A_153] : memref<16384x2048xf32, #tpu.memory_space<hbm>> -> memref<16384x1024xf32, #tpu.memory_space<hbm>>
    tpu.wait_indirect_dma semaphore(%arg17 : memref<!tpu.dma_semaphore, #tpu.memory_space<semaphore_mem>>) src(%dma_wait3A_154 : memref<16384x1024xf32, #tpu.memory_space<hbm>>) dst(%arg11 : memref<32x1024xf32, #tpu.memory_space<vmem>>)
    %add3A_155 = arith.constant 96 : i32
    %add3A_156 = arith.addi %mul3A_2, %add3A_155 : i32
    %dma_start3A_157 = arith.constant 0 : i32
    %dma_start3A_158 = tpu.memref_slice %arg5[%add3A_156, %dma_start3A_157] : memref<8192x256xf32, #tpu.memory_space<hbm>> -> memref<32x256xf32, #tpu.memory_space<hbm>>
    %dma_start3A_159 = arith.constant 0 : i32
    %dma_start3A_160 = tpu.memref_slice %arg5[%add3A_156, %dma_start3A_159] : memref<8192x256xf32, #tpu.memory_space<hbm>> -> memref<32x256xf32, #tpu.memory_space<hbm>>
    tpu.enqueue_dma source(%arg8 : memref<32x256xf32, #tpu.memory_space<vmem>>) target(%dma_start3A_160 : memref<32x256xf32, #tpu.memory_space<hbm>>) target_semaphore(%arg20 : memref<!tpu.dma_semaphore, #tpu.memory_space<semaphore_mem>>)
    %dma_start3A_161 = arith.constant 0 : i32
    %dma_start3A_162 = tpu.memref_slice %arg6[%add3A_156, %dma_start3A_161] : memref<8192x1024xf32, #tpu.memory_space<hbm>> -> memref<32x1024xf32, #tpu.memory_space<hbm>>
    %dma_start3A_163 = arith.constant 0 : i32
    %dma_start3A_164 = tpu.memref_slice %arg6[%add3A_156, %dma_start3A_163] : memref<8192x1024xf32, #tpu.memory_space<hbm>> -> memref<32x1024xf32, #tpu.memory_space<hbm>>
    tpu.enqueue_dma source(%arg11 : memref<32x1024xf32, #tpu.memory_space<vmem>>) target(%dma_start3A_164 : memref<32x1024xf32, #tpu.memory_space<hbm>>) target_semaphore(%arg23 : memref<!tpu.dma_semaphore, #tpu.memory_space<semaphore_mem>>)
    %dma_wait3A_165 = arith.constant 0 : i32
    %dma_wait3A_166 = tpu.memref_slice %arg5[%add3A_156, %dma_wait3A_165] : memref<8192x256xf32, #tpu.memory_space<hbm>> -> memref<32x256xf32, #tpu.memory_space<hbm>>
    %dma_wait3A_167 = arith.constant 0 : i32
    %dma_wait3A_168 = tpu.memref_slice %arg5[%add3A_156, %dma_wait3A_167] : memref<8192x256xf32, #tpu.memory_space<hbm>> -> memref<32x256xf32, #tpu.memory_space<hbm>>
    tpu.wait_dma2 semaphore(%arg20 : memref<!tpu.dma_semaphore, #tpu.memory_space<semaphore_mem>>) src(%arg8 : memref<32x256xf32, #tpu.memory_space<vmem>>) dst(%dma_wait3A_168 : memref<32x256xf32, #tpu.memory_space<hbm>>)
    %dma_wait3A_169 = arith.constant 0 : i32
    %dma_wait3A_170 = tpu.memref_slice %arg6[%add3A_156, %dma_wait3A_169] : memref<8192x1024xf32, #tpu.memory_space<hbm>> -> memref<32x1024xf32, #tpu.memory_space<hbm>>
    %dma_wait3A_171 = arith.constant 0 : i32
    %dma_wait3A_172 = tpu.memref_slice %arg6[%add3A_156, %dma_wait3A_171] : memref<8192x1024xf32, #tpu.memory_space<hbm>> -> memref<32x1024xf32, #tpu.memory_space<hbm>>
    tpu.wait_dma2 semaphore(%arg23 : memref<!tpu.dma_semaphore, #tpu.memory_space<semaphore_mem>>) src(%arg11 : memref<32x1024xf32, #tpu.memory_space<vmem>>) dst(%dma_wait3A_172 : memref<32x1024xf32, #tpu.memory_space<hbm>>)
    %dma_start3A_173 = arith.constant 192 : i32
    %dma_start3A_174 = tpu.memref_slice %arg7[%dma_start3A_173] : memref<256xi32, #tpu.memory_space<vmem>> -> memref<32xi32, #tpu.memory_space<vmem>>
    %dma_start3A_175 = arith.constant 0 : i32
    %dma_start3A_176 = arith.constant 0 : i32
    %dma_start3A_177 = tpu.memref_slice %arg3[%dma_start3A_175, %dma_start3A_176] : memref<16384x256xf32, #tpu.memory_space<hbm>> -> memref<16384x256xf32, #tpu.memory_space<hbm>>
    tpu.enqueue_indirect_dma source(%dma_start3A_177 : memref<16384x256xf32, #tpu.memory_space<hbm>>) target(%arg8 : memref<32x256xf32, #tpu.memory_space<vmem>>) offsets(%dma_start3A_174 : memref<32xi32, #tpu.memory_space<vmem>>) semaphore(%arg14 : memref<!tpu.dma_semaphore, #tpu.memory_space<semaphore_mem>>)
    %dma_start3A_178 = arith.constant 192 : i32
    %dma_start3A_179 = tpu.memref_slice %arg7[%dma_start3A_178] : memref<256xi32, #tpu.memory_space<vmem>> -> memref<32xi32, #tpu.memory_space<vmem>>
    %dma_start3A_180 = arith.constant 0 : i32
    %dma_start3A_181 = arith.constant 0 : i32
    %dma_start3A_182 = tpu.memref_slice %arg4[%dma_start3A_180, %dma_start3A_181] : memref<16384x2048xf32, #tpu.memory_space<hbm>> -> memref<16384x1024xf32, #tpu.memory_space<hbm>>
    tpu.enqueue_indirect_dma source(%dma_start3A_182 : memref<16384x1024xf32, #tpu.memory_space<hbm>>) target(%arg11 : memref<32x1024xf32, #tpu.memory_space<vmem>>) offsets(%dma_start3A_179 : memref<32xi32, #tpu.memory_space<vmem>>) semaphore(%arg17 : memref<!tpu.dma_semaphore, #tpu.memory_space<semaphore_mem>>)
    %dma_wait3A_183 = arith.constant 128 : i32
    %dma_wait3A_184 = tpu.memref_slice %arg7[%dma_wait3A_183] : memref<256xi32, #tpu.memory_space<vmem>> -> memref<32xi32, #tpu.memory_space<vmem>>
    %dma_wait3A_185 = arith.constant 0 : i32
    %dma_wait3A_186 = arith.constant 0 : i32
    %dma_wait3A_187 = tpu.memref_slice %arg3[%dma_wait3A_185, %dma_wait3A_186] : memref<16384x256xf32, #tpu.memory_space<hbm>> -> memref<16384x256xf32, #tpu.memory_space<hbm>>
    tpu.wait_indirect_dma semaphore(%arg15 : memref<!tpu.dma_semaphore, #tpu.memory_space<semaphore_mem>>) src(%dma_wait3A_187 : memref<16384x256xf32, #tpu.memory_space<hbm>>) dst(%arg9 : memref<32x256xf32, #tpu.memory_space<vmem>>)
    %dma_wait3A_188 = arith.constant 128 : i32
    %dma_wait3A_189 = tpu.memref_slice %arg7[%dma_wait3A_188] : memref<256xi32, #tpu.memory_space<vmem>> -> memref<32xi32, #tpu.memory_space<vmem>>
    %dma_wait3A_190 = arith.constant 0 : i32
    %dma_wait3A_191 = arith.constant 0 : i32
    %dma_wait3A_192 = tpu.memref_slice %arg4[%dma_wait3A_190, %dma_wait3A_191] : memref<16384x2048xf32, #tpu.memory_space<hbm>> -> memref<16384x1024xf32, #tpu.memory_space<hbm>>
    tpu.wait_indirect_dma semaphore(%arg18 : memref<!tpu.dma_semaphore, #tpu.memory_space<semaphore_mem>>) src(%dma_wait3A_192 : memref<16384x1024xf32, #tpu.memory_space<hbm>>) dst(%arg12 : memref<32x1024xf32, #tpu.memory_space<vmem>>)
    %add3A_193 = arith.constant 128 : i32
    %add3A_194 = arith.addi %mul3A_2, %add3A_193 : i32
    %dma_start3A_195 = arith.constant 0 : i32
    %dma_start3A_196 = tpu.memref_slice %arg5[%add3A_194, %dma_start3A_195] : memref<8192x256xf32, #tpu.memory_space<hbm>> -> memref<32x256xf32, #tpu.memory_space<hbm>>
    %dma_start3A_197 = arith.constant 0 : i32
    %dma_start3A_198 = tpu.memref_slice %arg5[%add3A_194, %dma_start3A_197] : memref<8192x256xf32, #tpu.memory_space<hbm>> -> memref<32x256xf32, #tpu.memory_space<hbm>>
    tpu.enqueue_dma source(%arg9 : memref<32x256xf32, #tpu.memory_space<vmem>>) target(%dma_start3A_198 : memref<32x256xf32, #tpu.memory_space<hbm>>) target_semaphore(%arg21 : memref<!tpu.dma_semaphore, #tpu.memory_space<semaphore_mem>>)
    %dma_start3A_199 = arith.constant 0 : i32
    %dma_start3A_200 = tpu.memref_slice %arg6[%add3A_194, %dma_start3A_199] : memref<8192x1024xf32, #tpu.memory_space<hbm>> -> memref<32x1024xf32, #tpu.memory_space<hbm>>
    %dma_start3A_201 = arith.constant 0 : i32
    %dma_start3A_202 = tpu.memref_slice %arg6[%add3A_194, %dma_start3A_201] : memref<8192x1024xf32, #tpu.memory_space<hbm>> -> memref<32x1024xf32, #tpu.memory_space<hbm>>
    tpu.enqueue_dma source(%arg12 : memref<32x1024xf32, #tpu.memory_space<vmem>>) target(%dma_start3A_202 : memref<32x1024xf32, #tpu.memory_space<hbm>>) target_semaphore(%arg24 : memref<!tpu.dma_semaphore, #tpu.memory_space<semaphore_mem>>)
    %dma_wait3A_203 = arith.constant 0 : i32
    %dma_wait3A_204 = tpu.memref_slice %arg5[%add3A_194, %dma_wait3A_203] : memref<8192x256xf32, #tpu.memory_space<hbm>> -> memref<32x256xf32, #tpu.memory_space<hbm>>
    %dma_wait3A_205 = arith.constant 0 : i32
    %dma_wait3A_206 = tpu.memref_slice %arg5[%add3A_194, %dma_wait3A_205] : memref<8192x256xf32, #tpu.memory_space<hbm>> -> memref<32x256xf32, #tpu.memory_space<hbm>>
    tpu.wait_dma2 semaphore(%arg21 : memref<!tpu.dma_semaphore, #tpu.memory_space<semaphore_mem>>) src(%arg9 : memref<32x256xf32, #tpu.memory_space<vmem>>) dst(%dma_wait3A_206 : memref<32x256xf32, #tpu.memory_space<hbm>>)
    %dma_wait3A_207 = arith.constant 0 : i32
    %dma_wait3A_208 = tpu.memref_slice %arg6[%add3A_194, %dma_wait3A_207] : memref<8192x1024xf32, #tpu.memory_space<hbm>> -> memref<32x1024xf32, #tpu.memory_space<hbm>>
    %dma_wait3A_209 = arith.constant 0 : i32
    %dma_wait3A_210 = tpu.memref_slice %arg6[%add3A_194, %dma_wait3A_209] : memref<8192x1024xf32, #tpu.memory_space<hbm>> -> memref<32x1024xf32, #tpu.memory_space<hbm>>
    tpu.wait_dma2 semaphore(%arg24 : memref<!tpu.dma_semaphore, #tpu.memory_space<semaphore_mem>>) src(%arg12 : memref<32x1024xf32, #tpu.memory_space<vmem>>) dst(%dma_wait3A_210 : memref<32x1024xf32, #tpu.memory_space<hbm>>)
    %dma_start3A_211 = arith.constant 224 : i32
    %dma_start3A_212 = tpu.memref_slice %arg7[%dma_start3A_211] : memref<256xi32, #tpu.memory_space<vmem>> -> memref<32xi32, #tpu.memory_space<vmem>>
    %dma_start3A_213 = arith.constant 0 : i32
    %dma_start3A_214 = arith.constant 0 : i32
    %dma_start3A_215 = tpu.memref_slice %arg3[%dma_start3A_213, %dma_start3A_214] : memref<16384x256xf32, #tpu.memory_space<hbm>> -> memref<16384x256xf32, #tpu.memory_space<hbm>>
    tpu.enqueue_indirect_dma source(%dma_start3A_215 : memref<16384x256xf32, #tpu.memory_space<hbm>>) target(%arg9 : memref<32x256xf32, #tpu.memory_space<vmem>>) offsets(%dma_start3A_212 : memref<32xi32, #tpu.memory_space<vmem>>) semaphore(%arg15 : memref<!tpu.dma_semaphore, #tpu.memory_space<semaphore_mem>>)
    %dma_start3A_216 = arith.constant 224 : i32
    %dma_start3A_217 = tpu.memref_slice %arg7[%dma_start3A_216] : memref<256xi32, #tpu.memory_space<vmem>> -> memref<32xi32, #tpu.memory_space<vmem>>
    %dma_start3A_218 = arith.constant 0 : i32
    %dma_start3A_219 = arith.constant 0 : i32
    %dma_start3A_220 = tpu.memref_slice %arg4[%dma_start3A_218, %dma_start3A_219] : memref<16384x2048xf32, #tpu.memory_space<hbm>> -> memref<16384x1024xf32, #tpu.memory_space<hbm>>
    tpu.enqueue_indirect_dma source(%dma_start3A_220 : memref<16384x1024xf32, #tpu.memory_space<hbm>>) target(%arg12 : memref<32x1024xf32, #tpu.memory_space<vmem>>) offsets(%dma_start3A_217 : memref<32xi32, #tpu.memory_space<vmem>>) semaphore(%arg18 : memref<!tpu.dma_semaphore, #tpu.memory_space<semaphore_mem>>)
    %dma_wait3A_221 = arith.constant 160 : i32
    %dma_wait3A_222 = tpu.memref_slice %arg7[%dma_wait3A_221] : memref<256xi32, #tpu.memory_space<vmem>> -> memref<32xi32, #tpu.memory_space<vmem>>
    %dma_wait3A_223 = arith.constant 0 : i32
    %dma_wait3A_224 = arith.constant 0 : i32
    %dma_wait3A_225 = tpu.memref_slice %arg3[%dma_wait3A_223, %dma_wait3A_224] : memref<16384x256xf32, #tpu.memory_space<hbm>> -> memref<16384x256xf32, #tpu.memory_space<hbm>>
    tpu.wait_indirect_dma semaphore(%arg16 : memref<!tpu.dma_semaphore, #tpu.memory_space<semaphore_mem>>) src(%dma_wait3A_225 : memref<16384x256xf32, #tpu.memory_space<hbm>>) dst(%arg10 : memref<32x256xf32, #tpu.memory_space<vmem>>)
    %dma_wait3A_226 = arith.constant 160 : i32
    %dma_wait3A_227 = tpu.memref_slice %arg7[%dma_wait3A_226] : memref<256xi32, #tpu.memory_space<vmem>> -> memref<32xi32, #tpu.memory_space<vmem>>
    %dma_wait3A_228 = arith.constant 0 : i32
    %dma_wait3A_229 = arith.constant 0 : i32
    %dma_wait3A_230 = tpu.memref_slice %arg4[%dma_wait3A_228, %dma_wait3A_229] : memref<16384x2048xf32, #tpu.memory_space<hbm>> -> memref<16384x1024xf32, #tpu.memory_space<hbm>>
    tpu.wait_indirect_dma semaphore(%arg19 : memref<!tpu.dma_semaphore, #tpu.memory_space<semaphore_mem>>) src(%dma_wait3A_230 : memref<16384x1024xf32, #tpu.memory_space<hbm>>) dst(%arg13 : memref<32x1024xf32, #tpu.memory_space<vmem>>)
    %add3A_231 = arith.constant 160 : i32
    %add3A_232 = arith.addi %mul3A_2, %add3A_231 : i32
    %dma_start3A_233 = arith.constant 0 : i32
    %dma_start3A_234 = tpu.memref_slice %arg5[%add3A_232, %dma_start3A_233] : memref<8192x256xf32, #tpu.memory_space<hbm>> -> memref<32x256xf32, #tpu.memory_space<hbm>>
    %dma_start3A_235 = arith.constant 0 : i32
    %dma_start3A_236 = tpu.memref_slice %arg5[%add3A_232, %dma_start3A_235] : memref<8192x256xf32, #tpu.memory_space<hbm>> -> memref<32x256xf32, #tpu.memory_space<hbm>>
    tpu.enqueue_dma source(%arg10 : memref<32x256xf32, #tpu.memory_space<vmem>>) target(%dma_start3A_236 : memref<32x256xf32, #tpu.memory_space<hbm>>) target_semaphore(%arg22 : memref<!tpu.dma_semaphore, #tpu.memory_space<semaphore_mem>>)
    %dma_start3A_237 = arith.constant 0 : i32
    %dma_start3A_238 = tpu.memref_slice %arg6[%add3A_232, %dma_start3A_237] : memref<8192x1024xf32, #tpu.memory_space<hbm>> -> memref<32x1024xf32, #tpu.memory_space<hbm>>
    %dma_start3A_239 = arith.constant 0 : i32
    %dma_start3A_240 = tpu.memref_slice %arg6[%add3A_232, %dma_start3A_239] : memref<8192x1024xf32, #tpu.memory_space<hbm>> -> memref<32x1024xf32, #tpu.memory_space<hbm>>
    tpu.enqueue_dma source(%arg13 : memref<32x1024xf32, #tpu.memory_space<vmem>>) target(%dma_start3A_240 : memref<32x1024xf32, #tpu.memory_space<hbm>>) target_semaphore(%arg25 : memref<!tpu.dma_semaphore, #tpu.memory_space<semaphore_mem>>)
    %dma_wait3A_241 = arith.constant 192 : i32
    %dma_wait3A_242 = tpu.memref_slice %arg7[%dma_wait3A_241] : memref<256xi32, #tpu.memory_space<vmem>> -> memref<32xi32, #tpu.memory_space<vmem>>
    %dma_wait3A_243 = arith.constant 0 : i32
    %dma_wait3A_244 = arith.constant 0 : i32
    %dma_wait3A_245 = tpu.memref_slice %arg3[%dma_wait3A_243, %dma_wait3A_244] : memref<16384x256xf32, #tpu.memory_space<hbm>> -> memref<16384x256xf32, #tpu.memory_space<hbm>>
    tpu.wait_indirect_dma semaphore(%arg14 : memref<!tpu.dma_semaphore, #tpu.memory_space<semaphore_mem>>) src(%dma_wait3A_245 : memref<16384x256xf32, #tpu.memory_space<hbm>>) dst(%arg8 : memref<32x256xf32, #tpu.memory_space<vmem>>)
    %dma_wait3A_246 = arith.constant 192 : i32
    %dma_wait3A_247 = tpu.memref_slice %arg7[%dma_wait3A_246] : memref<256xi32, #tpu.memory_space<vmem>> -> memref<32xi32, #tpu.memory_space<vmem>>
    %dma_wait3A_248 = arith.constant 0 : i32
    %dma_wait3A_249 = arith.constant 0 : i32
    %dma_wait3A_250 = tpu.memref_slice %arg4[%dma_wait3A_248, %dma_wait3A_249] : memref<16384x2048xf32, #tpu.memory_space<hbm>> -> memref<16384x1024xf32, #tpu.memory_space<hbm>>
    tpu.wait_indirect_dma semaphore(%arg17 : memref<!tpu.dma_semaphore, #tpu.memory_space<semaphore_mem>>) src(%dma_wait3A_250 : memref<16384x1024xf32, #tpu.memory_space<hbm>>) dst(%arg11 : memref<32x1024xf32, #tpu.memory_space<vmem>>)
    %add3A_251 = arith.constant 192 : i32
    %add3A_252 = arith.addi %mul3A_2, %add3A_251 : i32
    %dma_start3A_253 = arith.constant 0 : i32
    %dma_start3A_254 = tpu.memref_slice %arg5[%add3A_252, %dma_start3A_253] : memref<8192x256xf32, #tpu.memory_space<hbm>> -> memref<32x256xf32, #tpu.memory_space<hbm>>
    %dma_start3A_255 = arith.constant 0 : i32
    %dma_start3A_256 = tpu.memref_slice %arg5[%add3A_252, %dma_start3A_255] : memref<8192x256xf32, #tpu.memory_space<hbm>> -> memref<32x256xf32, #tpu.memory_space<hbm>>
    tpu.enqueue_dma source(%arg8 : memref<32x256xf32, #tpu.memory_space<vmem>>) target(%dma_start3A_256 : memref<32x256xf32, #tpu.memory_space<hbm>>) target_semaphore(%arg20 : memref<!tpu.dma_semaphore, #tpu.memory_space<semaphore_mem>>)
    %dma_start3A_257 = arith.constant 0 : i32
    %dma_start3A_258 = tpu.memref_slice %arg6[%add3A_252, %dma_start3A_257] : memref<8192x1024xf32, #tpu.memory_space<hbm>> -> memref<32x1024xf32, #tpu.memory_space<hbm>>
    %dma_start3A_259 = arith.constant 0 : i32
    %dma_start3A_260 = tpu.memref_slice %arg6[%add3A_252, %dma_start3A_259] : memref<8192x1024xf32, #tpu.memory_space<hbm>> -> memref<32x1024xf32, #tpu.memory_space<hbm>>
    tpu.enqueue_dma source(%arg11 : memref<32x1024xf32, #tpu.memory_space<vmem>>) target(%dma_start3A_260 : memref<32x1024xf32, #tpu.memory_space<hbm>>) target_semaphore(%arg23 : memref<!tpu.dma_semaphore, #tpu.memory_space<semaphore_mem>>)
    %dma_wait3A_261 = arith.constant 224 : i32
    %dma_wait3A_262 = tpu.memref_slice %arg7[%dma_wait3A_261] : memref<256xi32, #tpu.memory_space<vmem>> -> memref<32xi32, #tpu.memory_space<vmem>>
    %dma_wait3A_263 = arith.constant 0 : i32
    %dma_wait3A_264 = arith.constant 0 : i32
    %dma_wait3A_265 = tpu.memref_slice %arg3[%dma_wait3A_263, %dma_wait3A_264] : memref<16384x256xf32, #tpu.memory_space<hbm>> -> memref<16384x256xf32, #tpu.memory_space<hbm>>
    tpu.wait_indirect_dma semaphore(%arg15 : memref<!tpu.dma_semaphore, #tpu.memory_space<semaphore_mem>>) src(%dma_wait3A_265 : memref<16384x256xf32, #tpu.memory_space<hbm>>) dst(%arg9 : memref<32x256xf32, #tpu.memory_space<vmem>>)
    %dma_wait3A_266 = arith.constant 224 : i32
    %dma_wait3A_267 = tpu.memref_slice %arg7[%dma_wait3A_266] : memref<256xi32, #tpu.memory_space<vmem>> -> memref<32xi32, #tpu.memory_space<vmem>>
    %dma_wait3A_268 = arith.constant 0 : i32
    %dma_wait3A_269 = arith.constant 0 : i32
    %dma_wait3A_270 = tpu.memref_slice %arg4[%dma_wait3A_268, %dma_wait3A_269] : memref<16384x2048xf32, #tpu.memory_space<hbm>> -> memref<16384x1024xf32, #tpu.memory_space<hbm>>
    tpu.wait_indirect_dma semaphore(%arg18 : memref<!tpu.dma_semaphore, #tpu.memory_space<semaphore_mem>>) src(%dma_wait3A_270 : memref<16384x1024xf32, #tpu.memory_space<hbm>>) dst(%arg12 : memref<32x1024xf32, #tpu.memory_space<vmem>>)
    %add3A_271 = arith.constant 224 : i32
    %add3A_272 = arith.addi %mul3A_2, %add3A_271 : i32
    %dma_start3A_273 = arith.constant 0 : i32
    %dma_start3A_274 = tpu.memref_slice %arg5[%add3A_272, %dma_start3A_273] : memref<8192x256xf32, #tpu.memory_space<hbm>> -> memref<32x256xf32, #tpu.memory_space<hbm>>
    %dma_start3A_275 = arith.constant 0 : i32
    %dma_start3A_276 = tpu.memref_slice %arg5[%add3A_272, %dma_start3A_275] : memref<8192x256xf32, #tpu.memory_space<hbm>> -> memref<32x256xf32, #tpu.memory_space<hbm>>
    tpu.enqueue_dma source(%arg9 : memref<32x256xf32, #tpu.memory_space<vmem>>) target(%dma_start3A_276 : memref<32x256xf32, #tpu.memory_space<hbm>>) target_semaphore(%arg21 : memref<!tpu.dma_semaphore, #tpu.memory_space<semaphore_mem>>)
    %dma_start3A_277 = arith.constant 0 : i32
    %dma_start3A_278 = tpu.memref_slice %arg6[%add3A_272, %dma_start3A_277] : memref<8192x1024xf32, #tpu.memory_space<hbm>> -> memref<32x1024xf32, #tpu.memory_space<hbm>>
    %dma_start3A_279 = arith.constant 0 : i32
    %dma_start3A_280 = tpu.memref_slice %arg6[%add3A_272, %dma_start3A_279] : memref<8192x1024xf32, #tpu.memory_space<hbm>> -> memref<32x1024xf32, #tpu.memory_space<hbm>>
    tpu.enqueue_dma source(%arg12 : memref<32x1024xf32, #tpu.memory_space<vmem>>) target(%dma_start3A_280 : memref<32x1024xf32, #tpu.memory_space<hbm>>) target_semaphore(%arg24 : memref<!tpu.dma_semaphore, #tpu.memory_space<semaphore_mem>>)
    %dma_wait3A_281 = arith.constant 0 : i32
    %dma_wait3A_282 = tpu.memref_slice %arg5[%add3A_232, %dma_wait3A_281] : memref<8192x256xf32, #tpu.memory_space<hbm>> -> memref<32x256xf32, #tpu.memory_space<hbm>>
    %dma_wait3A_283 = arith.constant 0 : i32
    %dma_wait3A_284 = tpu.memref_slice %arg5[%add3A_232, %dma_wait3A_283] : memref<8192x256xf32, #tpu.memory_space<hbm>> -> memref<32x256xf32, #tpu.memory_space<hbm>>
    tpu.wait_dma2 semaphore(%arg22 : memref<!tpu.dma_semaphore, #tpu.memory_space<semaphore_mem>>) src(%arg10 : memref<32x256xf32, #tpu.memory_space<vmem>>) dst(%dma_wait3A_284 : memref<32x256xf32, #tpu.memory_space<hbm>>)
    %dma_wait3A_285 = arith.constant 0 : i32
    %dma_wait3A_286 = tpu.memref_slice %arg6[%add3A_232, %dma_wait3A_285] : memref<8192x1024xf32, #tpu.memory_space<hbm>> -> memref<32x1024xf32, #tpu.memory_space<hbm>>
    %dma_wait3A_287 = arith.constant 0 : i32
    %dma_wait3A_288 = tpu.memref_slice %arg6[%add3A_232, %dma_wait3A_287] : memref<8192x1024xf32, #tpu.memory_space<hbm>> -> memref<32x1024xf32, #tpu.memory_space<hbm>>
    tpu.wait_dma2 semaphore(%arg25 : memref<!tpu.dma_semaphore, #tpu.memory_space<semaphore_mem>>) src(%arg13 : memref<32x1024xf32, #tpu.memory_space<vmem>>) dst(%dma_wait3A_288 : memref<32x1024xf32, #tpu.memory_space<hbm>>)
    %dma_wait3A_289 = arith.constant 0 : i32
    %dma_wait3A_290 = tpu.memref_slice %arg5[%add3A_252, %dma_wait3A_289] : memref<8192x256xf32, #tpu.memory_space<hbm>> -> memref<32x256xf32, #tpu.memory_space<hbm>>
    %dma_wait3A_291 = arith.constant 0 : i32
    %dma_wait3A_292 = tpu.memref_slice %arg5[%add3A_252, %dma_wait3A_291] : memref<8192x256xf32, #tpu.memory_space<hbm>> -> memref<32x256xf32, #tpu.memory_space<hbm>>
    tpu.wait_dma2 semaphore(%arg20 : memref<!tpu.dma_semaphore, #tpu.memory_space<semaphore_mem>>) src(%arg8 : memref<32x256xf32, #tpu.memory_space<vmem>>) dst(%dma_wait3A_292 : memref<32x256xf32, #tpu.memory_space<hbm>>)
    %dma_wait3A_293 = arith.constant 0 : i32
    %dma_wait3A_294 = tpu.memref_slice %arg6[%add3A_252, %dma_wait3A_293] : memref<8192x1024xf32, #tpu.memory_space<hbm>> -> memref<32x1024xf32, #tpu.memory_space<hbm>>
    %dma_wait3A_295 = arith.constant 0 : i32
    %dma_wait3A_296 = tpu.memref_slice %arg6[%add3A_252, %dma_wait3A_295] : memref<8192x1024xf32, #tpu.memory_space<hbm>> -> memref<32x1024xf32, #tpu.memory_space<hbm>>
    tpu.wait_dma2 semaphore(%arg23 : memref<!tpu.dma_semaphore, #tpu.memory_space<semaphore_mem>>) src(%arg11 : memref<32x1024xf32, #tpu.memory_space<vmem>>) dst(%dma_wait3A_296 : memref<32x1024xf32, #tpu.memory_space<hbm>>)
    %dma_wait3A_297 = arith.constant 0 : i32
    %dma_wait3A_298 = tpu.memref_slice %arg5[%add3A_272, %dma_wait3A_297] : memref<8192x256xf32, #tpu.memory_space<hbm>> -> memref<32x256xf32, #tpu.memory_space<hbm>>
    %dma_wait3A_299 = arith.constant 0 : i32
    %dma_wait3A_300 = tpu.memref_slice %arg5[%add3A_272, %dma_wait3A_299] : memref<8192x256xf32, #tpu.memory_space<hbm>> -> memref<32x256xf32, #tpu.memory_space<hbm>>
    tpu.wait_dma2 semaphore(%arg21 : memref<!tpu.dma_semaphore, #tpu.memory_space<semaphore_mem>>) src(%arg9 : memref<32x256xf32, #tpu.memory_space<vmem>>) dst(%dma_wait3A_300 : memref<32x256xf32, #tpu.memory_space<hbm>>)
    %dma_wait3A_301 = arith.constant 0 : i32
    %dma_wait3A_302 = tpu.memref_slice %arg6[%add3A_272, %dma_wait3A_301] : memref<8192x1024xf32, #tpu.memory_space<hbm>> -> memref<32x1024xf32, #tpu.memory_space<hbm>>
    %dma_wait3A_303 = arith.constant 0 : i32
    %dma_wait3A_304 = tpu.memref_slice %arg6[%add3A_272, %dma_wait3A_303] : memref<8192x1024xf32, #tpu.memory_space<hbm>> -> memref<32x1024xf32, #tpu.memory_space<hbm>>
    tpu.wait_dma2 semaphore(%arg24 : memref<!tpu.dma_semaphore, #tpu.memory_space<semaphore_mem>>) src(%arg12 : memref<32x1024xf32, #tpu.memory_space<vmem>>) dst(%dma_wait3A_304 : memref<32x1024xf32, #tpu.memory_space<hbm>>)
    return
  }
}

module attributes {stable_mosaic.version = 14 : i64} {
  func.func @_topk_body(%arg0: i32, %arg1: memref<1x2048x256xf32, #tpu.memory_space<vmem>>, %arg2: memref<256x1xf32, #tpu.memory_space<vmem>>, %arg3: memref<1x1x1024xi32, #tpu.memory_space<vmem>>) attributes {dimension_semantics = [#tpu.dimension_semantics<arbitrary>], iteration_bounds = array<i64: 8>, scalar_prefetch = 0 : i64, scratch_operands = 0 : i64, tpu.core_type = #tpu.core_type<tc>, window_params = [{transform_indices = @transform_0, window_bounds = array<i64: 1, 2048, 256>}, {pipeline_mode = #tpu.pipeline_mode<synchronous>, transform_indices = @transform_1, window_bounds = array<i64: 256, 1>}, {transform_indices = @transform_2, window_bounds = array<i64: 1, 1, 1024>}]} {
    %get3A = arith.constant 0 : index
    %get3A_0 = arith.constant 0 : index
    %get3A_1 = arith.constant 0 : index
    %get3A_2 = vector.load %arg1[%get3A, %get3A_0, %get3A_1] : memref<1x2048x256xf32, #tpu.memory_space<vmem>>, vector<1x2048x256xf32>
    %get3A_3 = vector.shape_cast %get3A_2 : vector<1x2048x256xf32> to vector<2048x256xf32>
    %get3A_4 = arith.constant 0 : index
    %get3A_5 = arith.constant 0 : index
    %get3A_6 = vector.load %arg2[%get3A_4, %get3A_5] : memref<256x1xf32, #tpu.memory_space<vmem>>, vector<256x1xf32>
    %dot_general3A = arith.constant dense<0.000000e+00> : vector<1x2048xf32>
    %dot_general3A_7 = tpu.matmul %get3A_6, %get3A_3, %dot_general3A {dimension_numbers = #tpu.dot_dimension_numbers<[0], [1], [1], [0], [0, 1, 1, 0], [], []>, transpose_lhs_hint = false} : vector<256x1xf32>, vector<2048x256xf32>, vector<1x2048xf32> -> vector<1x2048xf32>
    %transpose3A = tpu.transpose %dot_general3A_7, [1, 0] : vector<1x2048xf32> -> vector<2048x1xf32>
    %iota3A = tpu.iota {dimensions = array<i32: 1>} : vector<1x1024xi32>
    %iota3A_8 = tpu.iota {dimensions = array<i32: 1>} : vector<256x2048xi32>
    %broadcast_in_dim3A = arith.constant 0 : i32
    %broadcast_in_dim3A_9 = vector.broadcast %broadcast_in_dim3A : i32 to vector<1x1024xi32>
    %slice3A = vector.extract_strided_slice %transpose3A {offsets = [0, 0], sizes = [256, 1], strides = [1, 1]} : vector<2048x1xf32> to vector<256x1xf32>
    %iota3A_10 = tpu.iota {dimensions = array<i32: 0>} : vector<256x1xi32>
    %add3A = arith.constant 0 : i32
    %add3A_11 = vector.broadcast %add3A : i32 to vector<256x1xi32>
    %add3A_12 = arith.addi %add3A_11, %iota3A_10 : vector<256x1xi32>
    %gt3A = vector.broadcast %dot_general3A_7 : vector<1x2048xf32> to vector<256x2048xf32>
    %gt3A_13 = vector.broadcast %slice3A : vector<256x1xf32> to vector<256x2048xf32>
    %gt3A_14 = arith.cmpf ogt, %gt3A, %gt3A_13 : vector<256x2048xf32>
    %eq3A = vector.broadcast %dot_general3A_7 : vector<1x2048xf32> to vector<256x2048xf32>
    %eq3A_15 = vector.broadcast %slice3A : vector<256x1xf32> to vector<256x2048xf32>
    %eq3A_16 = arith.cmpf oeq, %eq3A, %eq3A_15 : vector<256x2048xf32>
    %lt3A = vector.broadcast %add3A_12 : vector<256x1xi32> to vector<256x2048xi32>
    %lt3A_17 = arith.cmpi slt, %iota3A_8, %lt3A : vector<256x2048xi32>
    %and3A = arith.andi %eq3A_16, %lt3A_17 : vector<256x2048xi1>
    %or3A = arith.ori %gt3A_14, %and3A : vector<256x2048xi1>
    %jit3A = arith.constant 1.000000e+00 : f32
    %jit3A_18 = arith.constant 0.000000e+00 : f32
    %broadcast_in_dim3A_19 = vector.broadcast %jit3A : f32 to vector<256x2048xf32>
    %broadcast_in_dim3A_20 = vector.broadcast %jit3A_18 : f32 to vector<256x2048xf32>
    %select_n3A = arith.select %or3A, %broadcast_in_dim3A_19, %broadcast_in_dim3A_20 : vector<256x2048xi1>, vector<256x2048xf32>
    %reduce_sum3A = arith.constant dense<0.000000e+00> : vector<256xf32>
    %reduce_sum3A_21 = vector.multi_reduction <add>, %select_n3A, %reduce_sum3A [1] : vector<256x2048xf32> to vector<256xf32>
    %broadcast_in_dim3A_22 = vector.shape_cast %reduce_sum3A_21 : vector<256xf32> to vector<256x1xf32>
    %convert_element_type3A = arith.fptosi %broadcast_in_dim3A_22 : vector<256x1xf32> to vector<256x1xi32>
    %eq3A_23 = vector.broadcast %convert_element_type3A : vector<256x1xi32> to vector<256x1024xi32>
    %eq3A_24 = vector.broadcast %iota3A : vector<1x1024xi32> to vector<256x1024xi32>
    %eq3A_25 = arith.cmpi eq, %eq3A_23, %eq3A_24 : vector<256x1024xi32>
    %jit3A_26 = arith.constant 0 : i32
    %broadcast_in_dim3A_27 = vector.shape_cast %add3A_12 : vector<256x1xi32> to vector<256x1xi32>
    %broadcast_in_dim3A_28 = vector.broadcast %broadcast_in_dim3A_27 : vector<256x1xi32> to vector<256x1024xi32>
    %broadcast_in_dim3A_29 = vector.broadcast %jit3A_26 : i32 to vector<256x1024xi32>
    %select_n3A_30 = arith.select %eq3A_25, %broadcast_in_dim3A_28, %broadcast_in_dim3A_29 : vector<256x1024xi1>, vector<256x1024xi32>
    %reduce_sum3A_31 = arith.constant dense<0> : vector<1024xi32>
    %reduce_sum3A_32 = vector.multi_reduction <add>, %select_n3A_30, %reduce_sum3A_31 [0] : vector<256x1024xi32> to vector<1024xi32>
    %broadcast_in_dim3A_33 = vector.shape_cast %reduce_sum3A_32 : vector<1024xi32> to vector<1x1024xi32>
    %add3A_34 = arith.addi %broadcast_in_dim3A_9, %broadcast_in_dim3A_33 : vector<1x1024xi32>
    %slice3A_35 = vector.extract_strided_slice %transpose3A {offsets = [256, 0], sizes = [256, 1], strides = [1, 1]} : vector<2048x1xf32> to vector<256x1xf32>
    %iota3A_36 = tpu.iota {dimensions = array<i32: 0>} : vector<256x1xi32>
    %add3A_37 = arith.constant 256 : i32
    %add3A_38 = vector.broadcast %add3A_37 : i32 to vector<256x1xi32>
    %add3A_39 = arith.addi %add3A_38, %iota3A_36 : vector<256x1xi32>
    %gt3A_40 = vector.broadcast %dot_general3A_7 : vector<1x2048xf32> to vector<256x2048xf32>
    %gt3A_41 = vector.broadcast %slice3A_35 : vector<256x1xf32> to vector<256x2048xf32>
    %gt3A_42 = arith.cmpf ogt, %gt3A_40, %gt3A_41 : vector<256x2048xf32>
    %eq3A_43 = vector.broadcast %dot_general3A_7 : vector<1x2048xf32> to vector<256x2048xf32>
    %eq3A_44 = vector.broadcast %slice3A_35 : vector<256x1xf32> to vector<256x2048xf32>
    %eq3A_45 = arith.cmpf oeq, %eq3A_43, %eq3A_44 : vector<256x2048xf32>
    %lt3A_46 = vector.broadcast %add3A_39 : vector<256x1xi32> to vector<256x2048xi32>
    %lt3A_47 = arith.cmpi slt, %iota3A_8, %lt3A_46 : vector<256x2048xi32>
    %and3A_48 = arith.andi %eq3A_45, %lt3A_47 : vector<256x2048xi1>
    %or3A_49 = arith.ori %gt3A_42, %and3A_48 : vector<256x2048xi1>
    %jit3A_50 = arith.constant 1.000000e+00 : f32
    %jit3A_51 = arith.constant 0.000000e+00 : f32
    %broadcast_in_dim3A_52 = vector.broadcast %jit3A_50 : f32 to vector<256x2048xf32>
    %broadcast_in_dim3A_53 = vector.broadcast %jit3A_51 : f32 to vector<256x2048xf32>
    %select_n3A_54 = arith.select %or3A_49, %broadcast_in_dim3A_52, %broadcast_in_dim3A_53 : vector<256x2048xi1>, vector<256x2048xf32>
    %reduce_sum3A_55 = arith.constant dense<0.000000e+00> : vector<256xf32>
    %reduce_sum3A_56 = vector.multi_reduction <add>, %select_n3A_54, %reduce_sum3A_55 [1] : vector<256x2048xf32> to vector<256xf32>
    %broadcast_in_dim3A_57 = vector.shape_cast %reduce_sum3A_56 : vector<256xf32> to vector<256x1xf32>
    %convert_element_type3A_58 = arith.fptosi %broadcast_in_dim3A_57 : vector<256x1xf32> to vector<256x1xi32>
    %eq3A_59 = vector.broadcast %convert_element_type3A_58 : vector<256x1xi32> to vector<256x1024xi32>
    %eq3A_60 = vector.broadcast %iota3A : vector<1x1024xi32> to vector<256x1024xi32>
    %eq3A_61 = arith.cmpi eq, %eq3A_59, %eq3A_60 : vector<256x1024xi32>
    %jit3A_62 = arith.constant 0 : i32
    %broadcast_in_dim3A_63 = vector.shape_cast %add3A_39 : vector<256x1xi32> to vector<256x1xi32>
    %broadcast_in_dim3A_64 = vector.broadcast %broadcast_in_dim3A_63 : vector<256x1xi32> to vector<256x1024xi32>
    %broadcast_in_dim3A_65 = vector.broadcast %jit3A_62 : i32 to vector<256x1024xi32>
    %select_n3A_66 = arith.select %eq3A_61, %broadcast_in_dim3A_64, %broadcast_in_dim3A_65 : vector<256x1024xi1>, vector<256x1024xi32>
    %reduce_sum3A_67 = arith.constant dense<0> : vector<1024xi32>
    %reduce_sum3A_68 = vector.multi_reduction <add>, %select_n3A_66, %reduce_sum3A_67 [0] : vector<256x1024xi32> to vector<1024xi32>
    %broadcast_in_dim3A_69 = vector.shape_cast %reduce_sum3A_68 : vector<1024xi32> to vector<1x1024xi32>
    %add3A_70 = arith.addi %add3A_34, %broadcast_in_dim3A_69 : vector<1x1024xi32>
    %slice3A_71 = vector.extract_strided_slice %transpose3A {offsets = [512, 0], sizes = [256, 1], strides = [1, 1]} : vector<2048x1xf32> to vector<256x1xf32>
    %iota3A_72 = tpu.iota {dimensions = array<i32: 0>} : vector<256x1xi32>
    %add3A_73 = arith.constant 512 : i32
    %add3A_74 = vector.broadcast %add3A_73 : i32 to vector<256x1xi32>
    %add3A_75 = arith.addi %add3A_74, %iota3A_72 : vector<256x1xi32>
    %gt3A_76 = vector.broadcast %dot_general3A_7 : vector<1x2048xf32> to vector<256x2048xf32>
    %gt3A_77 = vector.broadcast %slice3A_71 : vector<256x1xf32> to vector<256x2048xf32>
    %gt3A_78 = arith.cmpf ogt, %gt3A_76, %gt3A_77 : vector<256x2048xf32>
    %eq3A_79 = vector.broadcast %dot_general3A_7 : vector<1x2048xf32> to vector<256x2048xf32>
    %eq3A_80 = vector.broadcast %slice3A_71 : vector<256x1xf32> to vector<256x2048xf32>
    %eq3A_81 = arith.cmpf oeq, %eq3A_79, %eq3A_80 : vector<256x2048xf32>
    %lt3A_82 = vector.broadcast %add3A_75 : vector<256x1xi32> to vector<256x2048xi32>
    %lt3A_83 = arith.cmpi slt, %iota3A_8, %lt3A_82 : vector<256x2048xi32>
    %and3A_84 = arith.andi %eq3A_81, %lt3A_83 : vector<256x2048xi1>
    %or3A_85 = arith.ori %gt3A_78, %and3A_84 : vector<256x2048xi1>
    %jit3A_86 = arith.constant 1.000000e+00 : f32
    %jit3A_87 = arith.constant 0.000000e+00 : f32
    %broadcast_in_dim3A_88 = vector.broadcast %jit3A_86 : f32 to vector<256x2048xf32>
    %broadcast_in_dim3A_89 = vector.broadcast %jit3A_87 : f32 to vector<256x2048xf32>
    %select_n3A_90 = arith.select %or3A_85, %broadcast_in_dim3A_88, %broadcast_in_dim3A_89 : vector<256x2048xi1>, vector<256x2048xf32>
    %reduce_sum3A_91 = arith.constant dense<0.000000e+00> : vector<256xf32>
    %reduce_sum3A_92 = vector.multi_reduction <add>, %select_n3A_90, %reduce_sum3A_91 [1] : vector<256x2048xf32> to vector<256xf32>
    %broadcast_in_dim3A_93 = vector.shape_cast %reduce_sum3A_92 : vector<256xf32> to vector<256x1xf32>
    %convert_element_type3A_94 = arith.fptosi %broadcast_in_dim3A_93 : vector<256x1xf32> to vector<256x1xi32>
    %eq3A_95 = vector.broadcast %convert_element_type3A_94 : vector<256x1xi32> to vector<256x1024xi32>
    %eq3A_96 = vector.broadcast %iota3A : vector<1x1024xi32> to vector<256x1024xi32>
    %eq3A_97 = arith.cmpi eq, %eq3A_95, %eq3A_96 : vector<256x1024xi32>
    %jit3A_98 = arith.constant 0 : i32
    %broadcast_in_dim3A_99 = vector.shape_cast %add3A_75 : vector<256x1xi32> to vector<256x1xi32>
    %broadcast_in_dim3A_100 = vector.broadcast %broadcast_in_dim3A_99 : vector<256x1xi32> to vector<256x1024xi32>
    %broadcast_in_dim3A_101 = vector.broadcast %jit3A_98 : i32 to vector<256x1024xi32>
    %select_n3A_102 = arith.select %eq3A_97, %broadcast_in_dim3A_100, %broadcast_in_dim3A_101 : vector<256x1024xi1>, vector<256x1024xi32>
    %reduce_sum3A_103 = arith.constant dense<0> : vector<1024xi32>
    %reduce_sum3A_104 = vector.multi_reduction <add>, %select_n3A_102, %reduce_sum3A_103 [0] : vector<256x1024xi32> to vector<1024xi32>
    %broadcast_in_dim3A_105 = vector.shape_cast %reduce_sum3A_104 : vector<1024xi32> to vector<1x1024xi32>
    %add3A_106 = arith.addi %add3A_70, %broadcast_in_dim3A_105 : vector<1x1024xi32>
    %slice3A_107 = vector.extract_strided_slice %transpose3A {offsets = [768, 0], sizes = [256, 1], strides = [1, 1]} : vector<2048x1xf32> to vector<256x1xf32>
    %iota3A_108 = tpu.iota {dimensions = array<i32: 0>} : vector<256x1xi32>
    %add3A_109 = arith.constant 768 : i32
    %add3A_110 = vector.broadcast %add3A_109 : i32 to vector<256x1xi32>
    %add3A_111 = arith.addi %add3A_110, %iota3A_108 : vector<256x1xi32>
    %gt3A_112 = vector.broadcast %dot_general3A_7 : vector<1x2048xf32> to vector<256x2048xf32>
    %gt3A_113 = vector.broadcast %slice3A_107 : vector<256x1xf32> to vector<256x2048xf32>
    %gt3A_114 = arith.cmpf ogt, %gt3A_112, %gt3A_113 : vector<256x2048xf32>
    %eq3A_115 = vector.broadcast %dot_general3A_7 : vector<1x2048xf32> to vector<256x2048xf32>
    %eq3A_116 = vector.broadcast %slice3A_107 : vector<256x1xf32> to vector<256x2048xf32>
    %eq3A_117 = arith.cmpf oeq, %eq3A_115, %eq3A_116 : vector<256x2048xf32>
    %lt3A_118 = vector.broadcast %add3A_111 : vector<256x1xi32> to vector<256x2048xi32>
    %lt3A_119 = arith.cmpi slt, %iota3A_8, %lt3A_118 : vector<256x2048xi32>
    %and3A_120 = arith.andi %eq3A_117, %lt3A_119 : vector<256x2048xi1>
    %or3A_121 = arith.ori %gt3A_114, %and3A_120 : vector<256x2048xi1>
    %jit3A_122 = arith.constant 1.000000e+00 : f32
    %jit3A_123 = arith.constant 0.000000e+00 : f32
    %broadcast_in_dim3A_124 = vector.broadcast %jit3A_122 : f32 to vector<256x2048xf32>
    %broadcast_in_dim3A_125 = vector.broadcast %jit3A_123 : f32 to vector<256x2048xf32>
    %select_n3A_126 = arith.select %or3A_121, %broadcast_in_dim3A_124, %broadcast_in_dim3A_125 : vector<256x2048xi1>, vector<256x2048xf32>
    %reduce_sum3A_127 = arith.constant dense<0.000000e+00> : vector<256xf32>
    %reduce_sum3A_128 = vector.multi_reduction <add>, %select_n3A_126, %reduce_sum3A_127 [1] : vector<256x2048xf32> to vector<256xf32>
    %broadcast_in_dim3A_129 = vector.shape_cast %reduce_sum3A_128 : vector<256xf32> to vector<256x1xf32>
    %convert_element_type3A_130 = arith.fptosi %broadcast_in_dim3A_129 : vector<256x1xf32> to vector<256x1xi32>
    %eq3A_131 = vector.broadcast %convert_element_type3A_130 : vector<256x1xi32> to vector<256x1024xi32>
    %eq3A_132 = vector.broadcast %iota3A : vector<1x1024xi32> to vector<256x1024xi32>
    %eq3A_133 = arith.cmpi eq, %eq3A_131, %eq3A_132 : vector<256x1024xi32>
    %jit3A_134 = arith.constant 0 : i32
    %broadcast_in_dim3A_135 = vector.shape_cast %add3A_111 : vector<256x1xi32> to vector<256x1xi32>
    %broadcast_in_dim3A_136 = vector.broadcast %broadcast_in_dim3A_135 : vector<256x1xi32> to vector<256x1024xi32>
    %broadcast_in_dim3A_137 = vector.broadcast %jit3A_134 : i32 to vector<256x1024xi32>
    %select_n3A_138 = arith.select %eq3A_133, %broadcast_in_dim3A_136, %broadcast_in_dim3A_137 : vector<256x1024xi1>, vector<256x1024xi32>
    %reduce_sum3A_139 = arith.constant dense<0> : vector<1024xi32>
    %reduce_sum3A_140 = vector.multi_reduction <add>, %select_n3A_138, %reduce_sum3A_139 [0] : vector<256x1024xi32> to vector<1024xi32>
    %broadcast_in_dim3A_141 = vector.shape_cast %reduce_sum3A_140 : vector<1024xi32> to vector<1x1024xi32>
    %add3A_142 = arith.addi %add3A_106, %broadcast_in_dim3A_141 : vector<1x1024xi32>
    %slice3A_143 = vector.extract_strided_slice %transpose3A {offsets = [1024, 0], sizes = [256, 1], strides = [1, 1]} : vector<2048x1xf32> to vector<256x1xf32>
    %iota3A_144 = tpu.iota {dimensions = array<i32: 0>} : vector<256x1xi32>
    %add3A_145 = arith.constant 1024 : i32
    %add3A_146 = vector.broadcast %add3A_145 : i32 to vector<256x1xi32>
    %add3A_147 = arith.addi %add3A_146, %iota3A_144 : vector<256x1xi32>
    %gt3A_148 = vector.broadcast %dot_general3A_7 : vector<1x2048xf32> to vector<256x2048xf32>
    %gt3A_149 = vector.broadcast %slice3A_143 : vector<256x1xf32> to vector<256x2048xf32>
    %gt3A_150 = arith.cmpf ogt, %gt3A_148, %gt3A_149 : vector<256x2048xf32>
    %eq3A_151 = vector.broadcast %dot_general3A_7 : vector<1x2048xf32> to vector<256x2048xf32>
    %eq3A_152 = vector.broadcast %slice3A_143 : vector<256x1xf32> to vector<256x2048xf32>
    %eq3A_153 = arith.cmpf oeq, %eq3A_151, %eq3A_152 : vector<256x2048xf32>
    %lt3A_154 = vector.broadcast %add3A_147 : vector<256x1xi32> to vector<256x2048xi32>
    %lt3A_155 = arith.cmpi slt, %iota3A_8, %lt3A_154 : vector<256x2048xi32>
    %and3A_156 = arith.andi %eq3A_153, %lt3A_155 : vector<256x2048xi1>
    %or3A_157 = arith.ori %gt3A_150, %and3A_156 : vector<256x2048xi1>
    %jit3A_158 = arith.constant 1.000000e+00 : f32
    %jit3A_159 = arith.constant 0.000000e+00 : f32
    %broadcast_in_dim3A_160 = vector.broadcast %jit3A_158 : f32 to vector<256x2048xf32>
    %broadcast_in_dim3A_161 = vector.broadcast %jit3A_159 : f32 to vector<256x2048xf32>
    %select_n3A_162 = arith.select %or3A_157, %broadcast_in_dim3A_160, %broadcast_in_dim3A_161 : vector<256x2048xi1>, vector<256x2048xf32>
    %reduce_sum3A_163 = arith.constant dense<0.000000e+00> : vector<256xf32>
    %reduce_sum3A_164 = vector.multi_reduction <add>, %select_n3A_162, %reduce_sum3A_163 [1] : vector<256x2048xf32> to vector<256xf32>
    %broadcast_in_dim3A_165 = vector.shape_cast %reduce_sum3A_164 : vector<256xf32> to vector<256x1xf32>
    %convert_element_type3A_166 = arith.fptosi %broadcast_in_dim3A_165 : vector<256x1xf32> to vector<256x1xi32>
    %eq3A_167 = vector.broadcast %convert_element_type3A_166 : vector<256x1xi32> to vector<256x1024xi32>
    %eq3A_168 = vector.broadcast %iota3A : vector<1x1024xi32> to vector<256x1024xi32>
    %eq3A_169 = arith.cmpi eq, %eq3A_167, %eq3A_168 : vector<256x1024xi32>
    %jit3A_170 = arith.constant 0 : i32
    %broadcast_in_dim3A_171 = vector.shape_cast %add3A_147 : vector<256x1xi32> to vector<256x1xi32>
    %broadcast_in_dim3A_172 = vector.broadcast %broadcast_in_dim3A_171 : vector<256x1xi32> to vector<256x1024xi32>
    %broadcast_in_dim3A_173 = vector.broadcast %jit3A_170 : i32 to vector<256x1024xi32>
    %select_n3A_174 = arith.select %eq3A_169, %broadcast_in_dim3A_172, %broadcast_in_dim3A_173 : vector<256x1024xi1>, vector<256x1024xi32>
    %reduce_sum3A_175 = arith.constant dense<0> : vector<1024xi32>
    %reduce_sum3A_176 = vector.multi_reduction <add>, %select_n3A_174, %reduce_sum3A_175 [0] : vector<256x1024xi32> to vector<1024xi32>
    %broadcast_in_dim3A_177 = vector.shape_cast %reduce_sum3A_176 : vector<1024xi32> to vector<1x1024xi32>
    %add3A_178 = arith.addi %add3A_142, %broadcast_in_dim3A_177 : vector<1x1024xi32>
    %slice3A_179 = vector.extract_strided_slice %transpose3A {offsets = [1280, 0], sizes = [256, 1], strides = [1, 1]} : vector<2048x1xf32> to vector<256x1xf32>
    %iota3A_180 = tpu.iota {dimensions = array<i32: 0>} : vector<256x1xi32>
    %add3A_181 = arith.constant 1280 : i32
    %add3A_182 = vector.broadcast %add3A_181 : i32 to vector<256x1xi32>
    %add3A_183 = arith.addi %add3A_182, %iota3A_180 : vector<256x1xi32>
    %gt3A_184 = vector.broadcast %dot_general3A_7 : vector<1x2048xf32> to vector<256x2048xf32>
    %gt3A_185 = vector.broadcast %slice3A_179 : vector<256x1xf32> to vector<256x2048xf32>
    %gt3A_186 = arith.cmpf ogt, %gt3A_184, %gt3A_185 : vector<256x2048xf32>
    %eq3A_187 = vector.broadcast %dot_general3A_7 : vector<1x2048xf32> to vector<256x2048xf32>
    %eq3A_188 = vector.broadcast %slice3A_179 : vector<256x1xf32> to vector<256x2048xf32>
    %eq3A_189 = arith.cmpf oeq, %eq3A_187, %eq3A_188 : vector<256x2048xf32>
    %lt3A_190 = vector.broadcast %add3A_183 : vector<256x1xi32> to vector<256x2048xi32>
    %lt3A_191 = arith.cmpi slt, %iota3A_8, %lt3A_190 : vector<256x2048xi32>
    %and3A_192 = arith.andi %eq3A_189, %lt3A_191 : vector<256x2048xi1>
    %or3A_193 = arith.ori %gt3A_186, %and3A_192 : vector<256x2048xi1>
    %jit3A_194 = arith.constant 1.000000e+00 : f32
    %jit3A_195 = arith.constant 0.000000e+00 : f32
    %broadcast_in_dim3A_196 = vector.broadcast %jit3A_194 : f32 to vector<256x2048xf32>
    %broadcast_in_dim3A_197 = vector.broadcast %jit3A_195 : f32 to vector<256x2048xf32>
    %select_n3A_198 = arith.select %or3A_193, %broadcast_in_dim3A_196, %broadcast_in_dim3A_197 : vector<256x2048xi1>, vector<256x2048xf32>
    %reduce_sum3A_199 = arith.constant dense<0.000000e+00> : vector<256xf32>
    %reduce_sum3A_200 = vector.multi_reduction <add>, %select_n3A_198, %reduce_sum3A_199 [1] : vector<256x2048xf32> to vector<256xf32>
    %broadcast_in_dim3A_201 = vector.shape_cast %reduce_sum3A_200 : vector<256xf32> to vector<256x1xf32>
    %convert_element_type3A_202 = arith.fptosi %broadcast_in_dim3A_201 : vector<256x1xf32> to vector<256x1xi32>
    %eq3A_203 = vector.broadcast %convert_element_type3A_202 : vector<256x1xi32> to vector<256x1024xi32>
    %eq3A_204 = vector.broadcast %iota3A : vector<1x1024xi32> to vector<256x1024xi32>
    %eq3A_205 = arith.cmpi eq, %eq3A_203, %eq3A_204 : vector<256x1024xi32>
    %jit3A_206 = arith.constant 0 : i32
    %broadcast_in_dim3A_207 = vector.shape_cast %add3A_183 : vector<256x1xi32> to vector<256x1xi32>
    %broadcast_in_dim3A_208 = vector.broadcast %broadcast_in_dim3A_207 : vector<256x1xi32> to vector<256x1024xi32>
    %broadcast_in_dim3A_209 = vector.broadcast %jit3A_206 : i32 to vector<256x1024xi32>
    %select_n3A_210 = arith.select %eq3A_205, %broadcast_in_dim3A_208, %broadcast_in_dim3A_209 : vector<256x1024xi1>, vector<256x1024xi32>
    %reduce_sum3A_211 = arith.constant dense<0> : vector<1024xi32>
    %reduce_sum3A_212 = vector.multi_reduction <add>, %select_n3A_210, %reduce_sum3A_211 [0] : vector<256x1024xi32> to vector<1024xi32>
    %broadcast_in_dim3A_213 = vector.shape_cast %reduce_sum3A_212 : vector<1024xi32> to vector<1x1024xi32>
    %add3A_214 = arith.addi %add3A_178, %broadcast_in_dim3A_213 : vector<1x1024xi32>
    %slice3A_215 = vector.extract_strided_slice %transpose3A {offsets = [1536, 0], sizes = [256, 1], strides = [1, 1]} : vector<2048x1xf32> to vector<256x1xf32>
    %iota3A_216 = tpu.iota {dimensions = array<i32: 0>} : vector<256x1xi32>
    %add3A_217 = arith.constant 1536 : i32
    %add3A_218 = vector.broadcast %add3A_217 : i32 to vector<256x1xi32>
    %add3A_219 = arith.addi %add3A_218, %iota3A_216 : vector<256x1xi32>
    %gt3A_220 = vector.broadcast %dot_general3A_7 : vector<1x2048xf32> to vector<256x2048xf32>
    %gt3A_221 = vector.broadcast %slice3A_215 : vector<256x1xf32> to vector<256x2048xf32>
    %gt3A_222 = arith.cmpf ogt, %gt3A_220, %gt3A_221 : vector<256x2048xf32>
    %eq3A_223 = vector.broadcast %dot_general3A_7 : vector<1x2048xf32> to vector<256x2048xf32>
    %eq3A_224 = vector.broadcast %slice3A_215 : vector<256x1xf32> to vector<256x2048xf32>
    %eq3A_225 = arith.cmpf oeq, %eq3A_223, %eq3A_224 : vector<256x2048xf32>
    %lt3A_226 = vector.broadcast %add3A_219 : vector<256x1xi32> to vector<256x2048xi32>
    %lt3A_227 = arith.cmpi slt, %iota3A_8, %lt3A_226 : vector<256x2048xi32>
    %and3A_228 = arith.andi %eq3A_225, %lt3A_227 : vector<256x2048xi1>
    %or3A_229 = arith.ori %gt3A_222, %and3A_228 : vector<256x2048xi1>
    %jit3A_230 = arith.constant 1.000000e+00 : f32
    %jit3A_231 = arith.constant 0.000000e+00 : f32
    %broadcast_in_dim3A_232 = vector.broadcast %jit3A_230 : f32 to vector<256x2048xf32>
    %broadcast_in_dim3A_233 = vector.broadcast %jit3A_231 : f32 to vector<256x2048xf32>
    %select_n3A_234 = arith.select %or3A_229, %broadcast_in_dim3A_232, %broadcast_in_dim3A_233 : vector<256x2048xi1>, vector<256x2048xf32>
    %reduce_sum3A_235 = arith.constant dense<0.000000e+00> : vector<256xf32>
    %reduce_sum3A_236 = vector.multi_reduction <add>, %select_n3A_234, %reduce_sum3A_235 [1] : vector<256x2048xf32> to vector<256xf32>
    %broadcast_in_dim3A_237 = vector.shape_cast %reduce_sum3A_236 : vector<256xf32> to vector<256x1xf32>
    %convert_element_type3A_238 = arith.fptosi %broadcast_in_dim3A_237 : vector<256x1xf32> to vector<256x1xi32>
    %eq3A_239 = vector.broadcast %convert_element_type3A_238 : vector<256x1xi32> to vector<256x1024xi32>
    %eq3A_240 = vector.broadcast %iota3A : vector<1x1024xi32> to vector<256x1024xi32>
    %eq3A_241 = arith.cmpi eq, %eq3A_239, %eq3A_240 : vector<256x1024xi32>
    %jit3A_242 = arith.constant 0 : i32
    %broadcast_in_dim3A_243 = vector.shape_cast %add3A_219 : vector<256x1xi32> to vector<256x1xi32>
    %broadcast_in_dim3A_244 = vector.broadcast %broadcast_in_dim3A_243 : vector<256x1xi32> to vector<256x1024xi32>
    %broadcast_in_dim3A_245 = vector.broadcast %jit3A_242 : i32 to vector<256x1024xi32>
    %select_n3A_246 = arith.select %eq3A_241, %broadcast_in_dim3A_244, %broadcast_in_dim3A_245 : vector<256x1024xi1>, vector<256x1024xi32>
    %reduce_sum3A_247 = arith.constant dense<0> : vector<1024xi32>
    %reduce_sum3A_248 = vector.multi_reduction <add>, %select_n3A_246, %reduce_sum3A_247 [0] : vector<256x1024xi32> to vector<1024xi32>
    %broadcast_in_dim3A_249 = vector.shape_cast %reduce_sum3A_248 : vector<1024xi32> to vector<1x1024xi32>
    %add3A_250 = arith.addi %add3A_214, %broadcast_in_dim3A_249 : vector<1x1024xi32>
    %slice3A_251 = vector.extract_strided_slice %transpose3A {offsets = [1792, 0], sizes = [256, 1], strides = [1, 1]} : vector<2048x1xf32> to vector<256x1xf32>
    %iota3A_252 = tpu.iota {dimensions = array<i32: 0>} : vector<256x1xi32>
    %add3A_253 = arith.constant 1792 : i32
    %add3A_254 = vector.broadcast %add3A_253 : i32 to vector<256x1xi32>
    %add3A_255 = arith.addi %add3A_254, %iota3A_252 : vector<256x1xi32>
    %gt3A_256 = vector.broadcast %dot_general3A_7 : vector<1x2048xf32> to vector<256x2048xf32>
    %gt3A_257 = vector.broadcast %slice3A_251 : vector<256x1xf32> to vector<256x2048xf32>
    %gt3A_258 = arith.cmpf ogt, %gt3A_256, %gt3A_257 : vector<256x2048xf32>
    %eq3A_259 = vector.broadcast %dot_general3A_7 : vector<1x2048xf32> to vector<256x2048xf32>
    %eq3A_260 = vector.broadcast %slice3A_251 : vector<256x1xf32> to vector<256x2048xf32>
    %eq3A_261 = arith.cmpf oeq, %eq3A_259, %eq3A_260 : vector<256x2048xf32>
    %lt3A_262 = vector.broadcast %add3A_255 : vector<256x1xi32> to vector<256x2048xi32>
    %lt3A_263 = arith.cmpi slt, %iota3A_8, %lt3A_262 : vector<256x2048xi32>
    %and3A_264 = arith.andi %eq3A_261, %lt3A_263 : vector<256x2048xi1>
    %or3A_265 = arith.ori %gt3A_258, %and3A_264 : vector<256x2048xi1>
    %jit3A_266 = arith.constant 1.000000e+00 : f32
    %jit3A_267 = arith.constant 0.000000e+00 : f32
    %broadcast_in_dim3A_268 = vector.broadcast %jit3A_266 : f32 to vector<256x2048xf32>
    %broadcast_in_dim3A_269 = vector.broadcast %jit3A_267 : f32 to vector<256x2048xf32>
    %select_n3A_270 = arith.select %or3A_265, %broadcast_in_dim3A_268, %broadcast_in_dim3A_269 : vector<256x2048xi1>, vector<256x2048xf32>
    %reduce_sum3A_271 = arith.constant dense<0.000000e+00> : vector<256xf32>
    %reduce_sum3A_272 = vector.multi_reduction <add>, %select_n3A_270, %reduce_sum3A_271 [1] : vector<256x2048xf32> to vector<256xf32>
    %broadcast_in_dim3A_273 = vector.shape_cast %reduce_sum3A_272 : vector<256xf32> to vector<256x1xf32>
    %convert_element_type3A_274 = arith.fptosi %broadcast_in_dim3A_273 : vector<256x1xf32> to vector<256x1xi32>
    %eq3A_275 = vector.broadcast %convert_element_type3A_274 : vector<256x1xi32> to vector<256x1024xi32>
    %eq3A_276 = vector.broadcast %iota3A : vector<1x1024xi32> to vector<256x1024xi32>
    %eq3A_277 = arith.cmpi eq, %eq3A_275, %eq3A_276 : vector<256x1024xi32>
    %jit3A_278 = arith.constant 0 : i32
    %broadcast_in_dim3A_279 = vector.shape_cast %add3A_255 : vector<256x1xi32> to vector<256x1xi32>
    %broadcast_in_dim3A_280 = vector.broadcast %broadcast_in_dim3A_279 : vector<256x1xi32> to vector<256x1024xi32>
    %broadcast_in_dim3A_281 = vector.broadcast %jit3A_278 : i32 to vector<256x1024xi32>
    %select_n3A_282 = arith.select %eq3A_277, %broadcast_in_dim3A_280, %broadcast_in_dim3A_281 : vector<256x1024xi1>, vector<256x1024xi32>
    %reduce_sum3A_283 = arith.constant dense<0> : vector<1024xi32>
    %reduce_sum3A_284 = vector.multi_reduction <add>, %select_n3A_282, %reduce_sum3A_283 [0] : vector<256x1024xi32> to vector<1024xi32>
    %broadcast_in_dim3A_285 = vector.shape_cast %reduce_sum3A_284 : vector<1024xi32> to vector<1x1024xi32>
    %add3A_286 = arith.addi %add3A_250, %broadcast_in_dim3A_285 : vector<1x1024xi32>
    %mul3A = arith.constant 2048 : i32
    %mul3A_287 = arith.muli %arg0, %mul3A : i32
    %add3A_288 = vector.broadcast %mul3A_287 : i32 to vector<1x1024xi32>
    %add3A_289 = arith.addi %add3A_286, %add3A_288 : vector<1x1024xi32>
    %swap3A = arith.constant 0 : index
    %swap3A_290 = arith.constant 0 : index
    %swap3A_291 = arith.constant 0 : index
    %swap3A_292 = vector.load %arg3[%swap3A, %swap3A_290, %swap3A_291] : memref<1x1x1024xi32, #tpu.memory_space<vmem>>, vector<1x1x1024xi32>
    %swap3A_293 = vector.shape_cast %swap3A_292 : vector<1x1x1024xi32> to vector<1x1024xi32>
    %swap3A_294 = vector.shape_cast %add3A_289 : vector<1x1024xi32> to vector<1x1x1024xi32>
    tpu.vector_store %arg3[%swap3A, %swap3A_290, %swap3A_291], %swap3A_294 {strides = array<i32>} : memref<1x1x1024xi32, #tpu.memory_space<vmem>>, vector<1x1x1024xi32>,
    return
  }
  func.func @transform_0(%arg0: i32) -> (i32, i32, i32) {
    %c0_i32 = arith.constant 0 : i32
    %c0_i32_0 = arith.constant 0 : i32
    %c0_i32_1 = arith.constant 0 : i32
    return %arg0, %c0_i32, %c0_i32_0 : i32, i32, i32
  }
  func.func @transform_1(%arg0: i32) -> (i32, i32) {
    %c0_i32 = arith.constant 0 : i32
    %c0_i32_0 = arith.constant 0 : i32
    %c0_i32_1 = arith.constant 0 : i32
    return %c0_i32, %c0_i32_0 : i32, i32
  }
  func.func @transform_2(%arg0: i32) -> (i32, i32, i32) {
    %c0_i32 = arith.constant 0 : i32
    %c0_i32_0 = arith.constant 0 : i32
    %c0_i32_1 = arith.constant 0 : i32
    return %arg0, %c0_i32, %c0_i32_0 : i32, i32, i32
  }
}

</mosaic_0001>

<sc_bundles>
// kernel: kernel.4.cloned.1.call-start
scs
__scs_entry_jumppad:
0x0: {  	(pc) =	sbr.rel $0x88, $3  }
0x1: {  	(tag) =	ssettag $0x0;
	lr =	simm.s32 $0x1  }
0x2: {  	[smem:$0x3F9E] =	sst lr;
	_ =	strace $0xD0000000  }
0x3: {  	_ = 	snop  }
0x4: {  	_ = 	snop  }
0x5: {  	_ = 	snop  }
0x6: {  	_ = 	snop  }
0x7: {  	_ = 	snop  }
__scs_overlays_trampoline_lowered:
0x8: {  	[smem:$0x3FAD] =	sst s0  }
0x9: {  	[smem:$0x3FAE] =	sst s1  }
0xa: {  	[smem:$0x3FAF] =	sst s2  }
0xb: {  	[smem:$0x3FB0] =	sst s3  }
0xc: {  	[smem:$0x3FB1] =	sst s4  }
0xd: {  	[smem:$0x3FB2] =	sst s5  }
0xe: {  	[smem:$0x3FB3] =	sst s6  }
0xf: {  	[smem:$0x3FB4] =	sst s7  }
0x10: {  	[smem:$0x3FB5] =	sst s8  }
0x11: {  	[smem:$0x3FB6] =	sst s9;
	s0 =	simm.s32 @!p0 $0x0  }
0x12: {  	s1 =	sld [smem:$0x3F9C];
	s0 =	simm.s32 @p0 $0x1  }
0x13: {  	[smem:$0x3FB7] =	sst s0;
	s0 =	simm.s32 @!p1 $0x0  }
0x14: {  	s2 =	sld [smem:$0x3F9B];
	s0 =	simm.s32 @p1 $0x1  }
0x15: {  	[smem:$0x3FB8] =	sst s0;
	s0 =	simm.s32 @!p2 $0x0  }
0x16: {  	s3 =	sld [smem:$0x3FDB];
	s0 =	simm.s32 @p2 $0x1  }
0x17: {  	s4 =	simm.s32 $0x1BF5;
	[smem:$0x3FBA] =	sst s0  }
0x18: {  	s0 =	sld [smem:$0x3F9D];
	_ =	swait.ge [sflag:s4], $0x0  }
0x19: {  	s7 =	sld [smem:$0x3F9E]  }
0x1a: {  	s8 =	sadd.s32 $0xFFFFE003, lr  }
0x1b: {  	s9 =	sadd.s32 $0xFFFFFEF7, lr;
	s5 =	simm.s32 $0xFFFFFFFF;
	p2 =	slt.u32 s8, $0xFFFFF086  }
0x1c: {  	p1 =	slt.u32 s9, $0xF7A;
	s5 =	simm.s32 @!p2 $0x0  }
0x1d: {  	s5 =	simm.s32 @p1 $0x1;
	p0 =	seq.s32 s7, s2  }
0x1e: {  	s7 =	smul.u32 @!p0 $0xF7A, s2;
	p2 =	seq.s32 @!p0 s5, $0x0  }
0x1f: {  	s9 =	smul.u32 $0xF7A, s1;
	s8 =	simm.s32 @!p0 $0x1BF5;
	p2 =	por !p2, p0  }
0x20: {  	[sflag:s8] =	ssyncset.s32 @!p0 $0xFFFFF086;
	s6 =	sadd.s32 @!p0 s3, s7;
	s7 =	simm.s32 @!p0 $0x108  }
0x21: {  	s3 =	sadd.s32 s3, s9;
	s6 =	sadd.s32 @!p0 $0x88, s6;
	s7 =	simm.s32 @p2 $0x1082  }
0x22: {  	[simem:s7], [sflag:s8] =	dma.local @!p0 [hbm:s6], $0xF7A  }
0x23: {  	s9 =	sor.u32 $0xD0000000, s2;
	s6 =	simm.s32 $0x108;
	_ =	swait.ge @!p0 [sflag:s8], $0x0  }
0x24: {  	s3 =	sadd.s32 $0x88, s3;
	s6 =	simm.s32 @!p1 $0x1082;
	[sflag:s4] =	ssyncset.s32 $0xFFFFF086  }
0x25: {  	[simem:s6], [sflag:s4] =	dma.local [hbm:s3], $0xF7A  }
0x26: {  	[smem:$0x3F9E] =	sst s1;
	(tag) =	ssettag s2;
	_ =	strace s9  }
0x27: {  	s1 =	sld [smem:$0x3FAE]  }
0x28: {  	s2 =	sld [smem:$0x3FAF]  }
0x29: {  	s4 =	sld [smem:$0x3FB1]  }
0x2a: {  	p0 =	seq.s32 s5, $0x0;
	s5 =	sld [smem:$0x3FB2]  }
0x2b: {  	s6 =	sld [smem:$0x3FB3]  }
0x2c: {  	s7 =	sld [smem:$0x3FB4]  }
0x2d: {  	s3 =	simm.s32 $0x108;
	s8 =	sld [smem:$0x3FB5]  }
0x2e: {  	s3 =	simm.s32 @!p0 $0x1082;
	s9 =	sld [smem:$0x3FB6]  }
0x2f: {  	lr =	sadd.s32 s0, s3;
	s0 =	sld [smem:$0x3FAD]  }
0x30: {  	s3 =	sld [smem:$0x3FB0]  }
0x31: {  	[smem:$0x3FB9] =	sst s10  }
0x32: {  	s10 =	sld [smem:$0x3FB7];
	_ =	sdelay $0x3  }
0x33: {  	p0 =	seq.s32 s10, $0x1;
	s10 =	sld [smem:$0x3FB9];
	_ =	sdelay $0x3  }
0x34: {  	[smem:$0x3FB9] =	sst s10  }
0x35: {  	s10 =	sld [smem:$0x3FB8];
	_ =	sdelay $0x3  }
0x36: {  	p1 =	seq.s32 s10, $0x1;
	s10 =	sld [smem:$0x3FB9];
	_ =	sdelay $0x3  }
0x37: {  	[smem:$0x3FB9] =	sst s10  }
0x38: {  	s10 =	sld [smem:$0x3FBA]  }
0x39: {  	_ = 	snop;
	(pc) =	sbr.ind lr, $3  }
0x3a: {  	_ = 	snop  }
0x3b: {  	_ = 	snop  }
0x3c: {  	p2 =	seq.s32 s10, $0x1;
	s10 =	sld [smem:$0x3FB9]  }
0x3d: {  	_ =	shalt  }
0x3e: {  	_ =	shalt  }
0x3f: {  	_ =	shalt  }
0x40: {  	_ =	shalt  }
0x41: {  	_ =	shalt  }
0x42: {  	_ =	shalt  }
0x43: {  	_ =	shalt  }
0x44: {  	_ =	shalt  }
0x45: {  	_ =	shalt  }
0x46: {  	_ =	shalt  }
0x47: {  	_ =	shalt  }
0x48: {  	_ =	shalt  }
0x49: {  	_ =	shalt  }
0x4a: {  	_ =	shalt  }
0x4b: {  	_ =	shalt  }
0x4c: {  	_ =	shalt  }
0x4d: {  	_ =	shalt  }
0x4e: {  	_ =	shalt  }
0x4f: {  	_ =	shalt  }
0x50: {  	_ =	shalt  }
0x51: {  	_ =	shalt  }
0x52: {  	_ =	shalt  }
0x53: {  	_ =	shalt  }
0x54: {  	_ =	shalt  }
0x55: {  	_ =	shalt  }
0x56: {  	_ =	shalt  }
0x57: {  	_ =	shalt  }
0x58: {  	_ =	shalt  }
0x59: {  	_ =	shalt  }
0x5a: {  	_ =	shalt  }
0x5b: {  	_ =	shalt  }
0x5c: {  	_ =	shalt  }
0x5d: {  	_ =	shalt  }
0x5e: {  	_ =	shalt  }
0x5f: {  	_ =	shalt  }
0x60: {  	_ =	shalt  }
0x61: {  	_ =	shalt  }
0x62: {  	_ =	shalt  }
0x63: {  	_ =	shalt  }
0x64: {  	_ =	shalt  }
0x65: {  	_ =	shalt  }
0x66: {  	_ =	shalt  }
0x67: {  	_ =	shalt  }
0x68: {  	_ =	shalt  }
0x69: {  	_ =	shalt  }
0x6a: {  	_ =	shalt  }
0x6b: {  	_ =	shalt  }
0x6c: {  	_ =	shalt  }
0x6d: {  	_ =	shalt  }
0x6e: {  	_ =	shalt  }
0x6f: {  	_ =	shalt  }
0x70: {  	_ =	shalt  }
0x71: {  	_ =	shalt  }
0x72: {  	_ =	shalt  }
0x73: {  	_ =	shalt  }
0x74: {  	_ =	shalt  }
0x75: {  	_ =	shalt  }
0x76: {  	_ =	shalt  }
0x77: {  	_ =	shalt  }
0x78: {  	_ =	shalt  }
0x79: {  	_ =	shalt  }
0x7a: {  	_ =	shalt  }
0x7b: {  	_ =	shalt  }
0x7c: {  	_ =	shalt  }
0x7d: {  	_ =	shalt  }
0x7e: {  	_ =	shalt  }
0x7f: {  	_ =	shalt  }
0x80: {  	_ =	shalt  }
0x81: {  	_ =	shalt  }
0x82: {  	_ =	shalt  }
0x83: {  	_ =	shalt  }
0x84: {  	_ =	shalt  }
0x85: {  	_ =	shalt  }
0x86: {  	_ =	shalt  }
0x87: {  	_ =	shalt  }
.Lfunc_end0:
.L_simem_size_0:
called_computation_lowered:
.L_overlay_start_0:
0x88: {  	s2 =	sld [smem:$0x3FD9]  }
0x89: {  	s3 =	sld [smem:$0x3FFE];
	_ =	sdelay $0x1  }
0x8a: {  	s1 =	srdreg.scid  }
0x8b: {  	s0 =	sand.u32 $0x1, s1  }
0x8c: {  	s14 =	sshll.u32 s0, $0xA;
	s2 =	sadd.s32 s3, s2  }
0x8d: {  	s2 =	sadd.s32 s2, s14  }
0x8e: {  	[smem:$0x3FC5] =	sst s2  }
0x8f: {  	_ = 	snop  }
0x90: {  	s2 =	sld [smem:$0x3FD0];
	_ =	sdelay $0x1  }
0x91: {  	s15 =	sld [smem:$0x3FC9]  }
0x92: {  	s5 =	simm.s32 $0xA;
	s6 =	simm.s32 $0x10;
	s4 =	sld [smem:$0x3FC8]  }
0x93: {  	[smem:s6], [sflag:s5] =	dma.local [hbm:s2], $0x1  }
0x94: {  	_ =	swait.eq [sflag:s5], $0x1  }
0x95: {  	[sflag:s5] =	ssyncset.done $0x0  }
0x96: {  	s16 =	sld [smem:$0x10];
	[sflag:s5] =	ssyncadd.s32 $0xFFFFFFFF  }
0x97: {  	s17 =	sld [smem:$0x11];
	(tm) =	ssettm $0x1  }
0x98: {  	s18 =	sld [smem:$0x3FFB];
	_ =	sdelay $0x3  }
0x99: {  	_ =	strace s18  }
0x9a: {  	s6 =	sld [smem:$0x3FFC];
	_ =	sdelay $0x3  }
0x9b: {  	_ =	strace s6  }
0x9c: {  	s6 =	sld [smem:$0x3FFD];
	_ =	sdelay $0x3  }
0x9d: {  	_ =	strace s6  }
0x9e: {  	_ =	strace $0x8FFFFFFF  }
0x9f: {  	s19 =	sld [smem:$0x3FDB];
	_ =	sdelay $0x1  }
0xa0: {  	s7 =	simm.s32 $_scs_section_size  }
0xa1: {  	s8 =	simm.s32 $_size__tile_overlayer_lowered;
	s9 =	simm.s32 $_tile_overlayer_lowered  }
0xa2: {  	s22 =	simm.s32 $0x1BFF;
	s21 =	sshll.u32 s9, $0x1;
	s6 =	sadd.s32 s7, s19  }
0xa3: {  	s10 =	simm.s32 $0x0;
	s20 =	sshll.u32 s8, $0x1;
	s8 =	sadd.s32 s21, s6  }
0xa4: {  	[timem:s10], [sflag:s22] =	dma.local [hbm:s8], s20  }
0xa5: {  	_ =	swait.ge [sflag:s22], s20  }
0xa6: {  	s7 =	ssub.s32 $0x0, s20;
	[sflag:s22] =	ssyncset.done $0x0  }
0xa7: {  	[sflag:s22] =	ssyncadd.s32 s7;
	_ =	sdelay $0x1  }
0xa8: {  	s23 =	simm.s32 $0x1B8B  }
0xa9: {  	_ =	swait.ge [sflag:s23], $0x1  }
0xaa: {  	[sflag:s23] =	ssyncset.done $0x0  }
0xab: {  	s25 =	simm.s32 $0x1B8E;
	s24 =	sld [smem:$0x3FFE];
	[sflag:s23] =	ssyncadd.s32 $0xFFFFFFFF  }
0xac: {  	s26 =	simm.s32 $execute0_lowered;
	[smem:$0x3FD2] =	sst s25  }
0xad: {  	s8 =	sshll.u32 s26, $0x1;
	_ =	strace $0x80000046;
	[dreg:$0x1] =	wrdreg $0xFFFFFFFF  }
0xae: {  	s28 =	simm.s32 $_size_execute0_lowered;
	s6 =	sadd.s32 s6, s8;
	[dreg:$0x0] =	wrdreg $0x0  }
0xaf: {  	s8 =	sshll.u32 s28, $0x1;
	[dreg:$0x2] =	wrdreg s6  }
0xb0: {  	[dreg:$0x3] =	wrdreg s8  }
0xb1: {  	[dreg:$0x4] =	wrdreg $0xC0  }
0xb2: {  	_ =	task [dreg:s10], $0x5FFFF  }
0xb3: {  	[dreg:$0x1] =	wrdreg $0xFFFFFFFF  }
0xb4: {  	[dreg:$0x0] =	wrdreg $0x60  }
0xb5: {  	[dreg:$0x2] =	wrdreg s24  }
0xb6: {  	[dreg:$0x3] =	wrdreg s15  }
0xb7: {  	[dreg:$0x4] =	wrdreg s4  }
0xb8: {  	[dreg:$0x5] =	wrdreg s16  }
0xb9: {  	[dreg:$0x6] =	wrdreg s17  }
0xba: {  	[dreg:$0x7] =	wrdreg $0x9  }
0xbb: {  	_ =	task.clear_ibuf [dreg:s10], $0x8FFFF;
	_ =	strace $0x90000046  }
0xbc: {  	s29 =	simm.s32 $0x9;
	_ =	strace $0x80000048  }
0xbd: {  	_ =	swait.ge [sflag:s29], $0x1  }
0xbe: {  	[sflag:s29] =	ssyncadd.s32 $0xFFFFFFFF  }
0xbf: {  	_ =	strace $0x90000048  }
0xc0: {  	_ =	sfence  }
0xc1: {  	s30 =	sld [smem:$0x0];
	_ =	sdelay $0x2  }
0xc2: {  	s31 =	sshll.u32 s1, $0xD;
	s1 =	sshrl.u32 s1, $0x2  }
0xc3: {  	s3 =	sand.u32 $0x4000, s31;
	s1 =	sadd.s32 s1, s30  }
0xc4: {  	s0 =	sor.u32 s3, s0;
	s1 =	sshll.u32 s1, $0x11  }
0xc5: {  	s0 =	sor.u32 s1, s0  }
0xc6: {  	s0 =	sadd.s32 $0x8F2B, s0  }
0xc7: {  	[sflag:s0] =	ssyncadd.remote.s32 $0x1  }
0xc8: {  	_ =	sfence.sel $0xFFFF  }
0xc9: {  	[dreg:$0x0] =	wrdreg $0xFFFFFFFF;
	(pc) =	sbr.abs _section_cstart, $3  }
0xca: {  	[dreg:$0x1] =	wrdreg $0xFFFFFFFF  }
0xcb: {  	_ =	task.clear_ibuf [dreg:s10], $0x2FFFF;
	_ =	strace $0x9FFFFFFF  }
0xcc: {  	(tm) =	ssettm $0x7FFFFFFF  }
0xcd: {  	_ =	shalt  }
tec
execute0_lowered:
.L_overlay_start_1:
0x0: {  	(tag) =	ssettag $0x1  }
0x1: {  	s5 =	rddreg [dreg:$0x0]  }
0x2: {  	s1 =	rddreg [dreg:$0x1]  }
0x3: {  	s0 =	srdreg.scid;
	s2 =	rddreg [dreg:$0x2]  }
0x4: {  	s4 =	stileid.u32;
	s3 =	rddreg [dreg:$0x3];
	s31 =	simm.s32 $0x6100  }
0x5: {  	s29 =	simm.s32 $0x16900;
	s30 =	simm.s32 $0x17100;
	s6 =	sand.u32 $0x1, s0  }
0x6: {  	s28 =	simm.s32 $0x19900;
	s4 =	sshll.u32 s4, $0x9;
	s7 =	sshll.u32 s6, $0x8  }
0x7: {  	s0 =	rddreg [dreg:$0x4];
	s6 =	ssub.s32 $0x2, s6;
	s7 =	sor.u32 s7, s4  }
0x8: {  	s4 =	simm.s32 $0x0;
	s9 =	sshrl.u32 s6, $0x1;
	s8 =	sshrl.u32 s7, $0x3  }
0x9: {  	[smem:$0x7FF] =	sst s4;
	s20 =	sshll.u32 s7, $0x5;
	s7 =	sshll.u32 s7, $0x7  }
0xa: {  	s9 =	ssub.s32 s6, s9;
	s5 =	sadd.s32 s8, s5;
	_ =	strace $0x80000047  }
0xb: {  	s10 =	sor.u32 $0x4, s8;
	s21 =	sadd.s32 s0, s7;
	s26 =	sor.u32 $0x8, s8  }
0xc: {  	s11 =	sor.u32 $0xC, s8;
	s16 =	sor.u32 $0x10, s8;
	s18 =	sor.u32 $0x14, s8  }
0xd: {  	s5 =	sadd.s32 $0xC00, s5;
	s22 =	sshll.u32 s10, $0x8;
	[dreg:$0x8] =	wrdreg s21  }
0xe: {  	s24 =	sshll.u32 s10, $0xA;
	s6 =	sshll.u32 s26, $0x8;
	s10 =	sshll.u32 s26, $0xA  }
0xf: {  	s13 =	sshll.u32 s11, $0x8;
	s15 =	sshll.u32 s11, $0xA;
	s17 =	sshll.u32 s16, $0x8  }
0x10: {  	s7 =	sshll.u32 s16, $0xA;
	[dreg:$0x6] =	wrdreg s5;
	s5 =	sadd.s32 s3, s20  }
0x11: {  	s16 =	simm.s32 $0x8;
	s23 =	sadd.s32 s3, s22;
	[dreg:$0x7] =	wrdreg s5  }
0x12: {  	s25 =	sadd.s32 s0, s24;
	s12 =	sadd.s32 s0, s10;
	[dreg:$0x9] =	wrdreg s23  }
0x13: {  	s14 =	sadd.s32 s3, s13;
	s19 =	sadd.s32 s0, s7;
	[dreg:$0xa] =	wrdreg s25  }
0x14: {  	s20 =	sshll.u32 s18, $0x8;
	s22 =	sshll.u32 s18, $0xA;
	[dreg:$0xc] =	wrdreg s12  }
0x15: {  	s13 =	simm.s32 $0x2;
	s18 =	simm.s32 $0xE100;
	[dreg:$0xd] =	wrdreg s14  }
0x16: {  	s5 =	sadd.s32 s3, s6;
	s6 =	sadd.s32 s0, s15;
	[dreg:$0x10] =	wrdreg s19  }
0x17: {  	s21 =	sadd.s32 s3, s20;
	s7 =	sadd.s32 s0, s22;
	s23 =	sor.u32 $0x18, s8  }
0x18: {  	s8 =	sor.u32 $0x1C, s8;
	s12 =	simm.s32 $0xA;
	[dreg:$0xb] =	wrdreg s5  }
0x19: {  	s15 =	simm.s32 $0x5;
	s14 =	simm.s32 $0x100;
	[dreg:$0xe] =	wrdreg s6  }
0x1a: {  	s5 =	sadd.s32 $0x100, s2;
	s6 =	sadd.s32 s3, s17;
	[dreg:$0x11] =	wrdreg s21  }
0x1b: {  	[dreg:$0x12] =	wrdreg s7;
	s24 =	sshll.u32 s23, $0x8;
	s10 =	sshll.u32 s23, $0xA  }
0x1c: {  	s26 =	sshll.u32 s8, $0x8;
	s8 =	sshll.u32 s8, $0xA;
	s17 =	simm.s32 $0xB  }
0x1d: {  	[dreg:$0xf] =	wrdreg s6;
	s6 =	sadd.s32 $0x200, s2;
	s7 =	sadd.s32 s3, s24  }
0x1e: {  	s25 =	sadd.s32 s0, s10;
	s3 =	sadd.s32 s3, s26;
	s0 =	sadd.s32 s0, s8  }
0x1f: {  	s8 =	smax.u32 s9, $0x1;
	s24 =	simm.s32 $0x1;
	[dreg:$0x13] =	wrdreg s7  }
0x20: {  	v2 =	vlaneseq.u32;
	s9 =	simm.s32 $0x7;
	s10 =	simm.s32 $0x2100;
	[dreg:$0x14] =	wrdreg s25  }
0x21: {  	vm0 =	vmmov $0xffff;
	v1 =	vshrl.u32 v2, $0x3;
	s26 =	simm.s32 $0x5900;
	s7 =	sadd.s32 $0x300, s2;
	[dreg:$0x15] =	wrdreg s3  }
0x22: {  	v0 =	vand.u32 $0x7, v2;
	v2 =	vor.u32 $0x8, v2;
	v1 =	vmul.u32 $0x8, v1;
	[dreg:$0x16] =	wrdreg s0;
	s0 =	simm.s32 $0x4;
	s25 =	simm.s32 $0x5100  }
.LBB2_1:
0x23: {  	s22 =	rddreg [dreg:$0x6];
	s19 =	simm.s32 $0xD  }
0x24: {  	[tilespmem:s4], [sflag:$0xD] =	stream.linear.gather [hbm4b:s22+s4], $0x100, $0x38;
	[tilespmem:$0x1E100] =	vst v63  }
0x25: {  	_ =	swait.ge [sflag:s19], $0x100  }
0x26: {  	[sflag:s19] =	ssyncset.done $0x0  }
0x27: {  	[sflag:s19] =	ssyncadd.s32 $0xFFFFFF00  }
0x28: {  	v3 =	vld [tilespmem:$0x0];
	_ =	sdelay $0x4  }
0x29: {  	v4 =	vshll.u32 v3, $0x1  }
0x2a: {  	v3 =	vand.u32 $0x7, v3;
	v4 =	vand.u32 $0xFFFFFFF0, v4  }
0x2b: {  	v3 =	vor.u32 v3, v4  }
0x2c: {  	v4 =	vperm.xlane v3, v0;
	_ =	sdelay $0x1  }
0x2d: {  	v3 =	vperm.xlane v3, v2;
	v4 =	vadd.s32 v1, v4;
	_ =	sdelay $0x1  }
0x2e: {  	v3 =	vadd.s32 v1, v3;
	_ =	sdelay $0x2  }
0x2f: {  	[tilespmem:s14], [sflag:$0x1] =	stream.indirect_vreg.gather [hbm4b:s1+s4], $0x80, v4, vm0, $0xb8;
	[tilespmem:$0x1E100] =	vst v63  }
0x30: {  	s3 =	simm.s32 $0x900  }
0x31: {  	[tilespmem:s3], [sflag:$0x1] =	stream.indirect_vreg.gather [hbm4b:s1+s4], $0x80, v3, vm0, $0xb8;
	[tilespmem:$0x1E100] =	vst v63  }
0x32: {  	v3 =	vld [tilespmem:$0x10];
	_ =	sdelay $0x4  }
0x33: {  	v33 =	vshll.u32 v3, $0x1  }
0x34: {  	v3 =	vand.u32 $0x7, v3;
	v4 =	vand.u32 $0xFFFFFFF0, v33  }
0x35: {  	v3 =	vor.u32 v3, v4  }
0x36: {  	v4 =	vperm.xlane v3, v0;
	_ =	sdelay $0x1  }
0x37: {  	v3 =	vperm.xlane v3, v2;
	v4 =	vadd.s32 v1, v4;
	_ =	sdelay $0x1  }
0x38: {  	v3 =	vadd.s32 v1, v3;
	_ =	sdelay $0x1  }
0x39: {  	s20 =	simm.s32 $0x1100  }
0x3a: {  	[tilespmem:s20], [sflag:$0x1] =	stream.indirect_vreg.gather [hbm4b:s1+s4], $0x80, v4, vm0, $0xb8;
	[tilespmem:$0x1E100] =	vst v63  }
0x3b: {  	s21 =	simm.s32 $0x1900  }
0x3c: {  	[tilespmem:s21], [sflag:$0x1] =	stream.indirect_vreg.gather [hbm4b:s1+s4], $0x80, v3, vm0, $0xb8;
	[tilespmem:$0x1E100] =	vst v63  }
0x3d: {  	v3 =	vld [tilespmem:$0x0];
	_ =	sdelay $0x4  }
0x3e: {  	v34 =	vshll.u32 v3, $0x4  }
0x3f: {  	v3 =	vand.u32 $0x7, v3;
	v4 =	vand.u32 $0xFFFFFF80, v34  }
0x40: {  	v3 =	vor.u32 v3, v4  }
0x41: {  	v4 =	vperm.xlane v3, v0;
	_ =	sdelay $0x1  }
0x42: {  	v4 =	vadd.s32 v1, v4;
	_ =	sdelay $0x4  }
0x43: {  	[tilespmem:s31], [sflag:$0x4] =	stream.indirect_vreg.gather [hbm4b:s2+s4], $0x80, v4, vm0, $0xb8;
	[tilespmem:$0x1E100] =	vst v63  }
0x44: {  	s22 =	simm.s32 $0x6900;
	v3 =	vperm.xlane v3, v2  }
0x45: {  	[tilespmem:s22], [sflag:$0x4] =	stream.indirect_vreg.gather [hbm4b:s5+s4], $0x80, v4, vm0, $0xb8;
	[tilespmem:$0x1E100] =	vst v63  }
0x46: {  	s23 =	simm.s32 $0x7100;
	v3 =	vadd.s32 v1, v3  }
0x47: {  	[tilespmem:s23], [sflag:$0x4] =	stream.indirect_vreg.gather [hbm4b:s6+s4], $0x80, v4, vm0, $0xb8;
	[tilespmem:$0x1E100] =	vst v63  }
0x48: {  	s21 =	simm.s32 $0x7900  }
0x49: {  	[tilespmem:s21], [sflag:$0x4] =	stream.indirect_vreg.gather [hbm4b:s7+s4], $0x80, v4, vm0, $0xb8;
	[tilespmem:$0x1E100] =	vst v63  }
0x4a: {  	s22 =	simm.s32 $0x8100  }
0x4b: {  	[tilespmem:s22], [sflag:$0x4] =	stream.indirect_vreg.gather [hbm4b:s2+s4], $0x80, v3, vm0, $0xb8;
	[tilespmem:$0x1E100] =	vst v63  }
0x4c: {  	s23 =	simm.s32 $0x8900  }
0x4d: {  	[tilespmem:s23], [sflag:$0x4] =	stream.indirect_vreg.gather [hbm4b:s5+s4], $0x80, v3, vm0, $0xb8;
	[tilespmem:$0x1E100] =	vst v63  }
0x4e: {  	s21 =	simm.s32 $0x9100  }
0x4f: {  	[tilespmem:s21], [sflag:$0x4] =	stream.indirect_vreg.gather [hbm4b:s6+s4], $0x80, v3, vm0, $0xb8;
	[tilespmem:$0x1E100] =	vst v63  }
0x50: {  	s22 =	simm.s32 $0x9900  }
0x51: {  	[tilespmem:s22], [sflag:$0x4] =	stream.indirect_vreg.gather [hbm4b:s7+s4], $0x80, v3, vm0, $0xb8;
	[tilespmem:$0x1E100] =	vst v63  }
0x52: {  	v3 =	vld [tilespmem:$0x10];
	_ =	sdelay $0x4  }
0x53: {  	v35 =	vshll.u32 v3, $0x4  }
0x54: {  	v3 =	vand.u32 $0x7, v3;
	v4 =	vand.u32 $0xFFFFFF80, v35  }
0x55: {  	v3 =	vor.u32 v3, v4  }
0x56: {  	v4 =	vperm.xlane v3, v0;
	_ =	sdelay $0x1  }
0x57: {  	v4 =	vadd.s32 v1, v4;
	_ =	sdelay $0x3  }
0x58: {  	s23 =	simm.s32 $0xA100  }
0x59: {  	[tilespmem:s23], [sflag:$0x4] =	stream.indirect_vreg.gather [hbm4b:s2+s4], $0x80, v4, vm0, $0xb8;
	[tilespmem:$0x1E100] =	vst v63  }
0x5a: {  	s22 =	simm.s32 $0xA900;
	v3 =	vperm.xlane v3, v2  }
0x5b: {  	[tilespmem:s22], [sflag:$0x4] =	stream.indirect_vreg.gather [hbm4b:s5+s4], $0x80, v4, vm0, $0xb8;
	[tilespmem:$0x1E100] =	vst v63  }
0x5c: {  	v3 =	vadd.s32 v1, v3;
	s23 =	simm.s32 $0xB100  }
0x5d: {  	[tilespmem:s23], [sflag:$0x4] =	stream.indirect_vreg.gather [hbm4b:s6+s4], $0x80, v4, vm0, $0xb8;
	[tilespmem:$0x1E100] =	vst v63  }
0x5e: {  	s22 =	simm.s32 $0xB900  }
0x5f: {  	[tilespmem:s22], [sflag:$0x4] =	stream.indirect_vreg.gather [hbm4b:s7+s4], $0x80, v4, vm0, $0xb8;
	[tilespmem:$0x1E100] =	vst v63  }
0x60: {  	s23 =	simm.s32 $0xC100  }
0x61: {  	[tilespmem:s23], [sflag:$0x4] =	stream.indirect_vreg.gather [hbm4b:s2+s4], $0x80, v3, vm0, $0xb8;
	[tilespmem:$0x1E100] =	vst v63  }
0x62: {  	s22 =	simm.s32 $0xC900  }
0x63: {  	[tilespmem:s22], [sflag:$0x4] =	stream.indirect_vreg.gather [hbm4b:s5+s4], $0x80, v3, vm0, $0xb8;
	[tilespmem:$0x1E100] =	vst v63  }
0x64: {  	s23 =	simm.s32 $0xD100  }
0x65: {  	[tilespmem:s23], [sflag:$0x4] =	stream.indirect_vreg.gather [hbm4b:s6+s4], $0x80, v3, vm0, $0xb8;
	[tilespmem:$0x1E100] =	vst v63  }
0x66: {  	s22 =	simm.s32 $0xD900  }
0x67: {  	[tilespmem:s22], [sflag:$0x4] =	stream.indirect_vreg.gather [hbm4b:s7+s4], $0x80, v3, vm0, $0xb8;
	[tilespmem:$0x1E100] =	vst v63  }
0x68: {  	v3 =	vld [tilespmem:$0x20];
	_ =	sdelay $0x4  }
0x69: {  	v36 =	vshll.u32 v3, $0x1  }
0x6a: {  	v3 =	vand.u32 $0x7, v3;
	v4 =	vand.u32 $0xFFFFFFF0, v36  }
0x6b: {  	v3 =	vor.u32 v3, v4  }
0x6c: {  	v4 =	vperm.xlane v3, v0;
	_ =	sdelay $0x1  }
0x6d: {  	v3 =	vperm.xlane v3, v2;
	v4 =	vadd.s32 v1, v4;
	_ =	sdelay $0x1  }
0x6e: {  	v3 =	vadd.s32 v1, v3;
	_ =	sdelay $0x2  }
0x6f: {  	[tilespmem:s10], [sflag:$0x2] =	stream.indirect_vreg.gather [hbm4b:s1+s4], $0x80, v4, vm0, $0xb8;
	[tilespmem:$0x1E100] =	vst v63  }
0x70: {  	s23 =	simm.s32 $0x2900  }
0x71: {  	[tilespmem:s23], [sflag:$0x2] =	stream.indirect_vreg.gather [hbm4b:s1+s4], $0x80, v3, vm0, $0xb8;
	[tilespmem:$0x1E100] =	vst v63  }
0x72: {  	v3 =	vld [tilespmem:$0x30];
	_ =	sdelay $0x4  }
0x73: {  	v37 =	vshll.u32 v3, $0x1  }
0x74: {  	v3 =	vand.u32 $0x7, v3;
	v4 =	vand.u32 $0xFFFFFFF0, v37  }
0x75: {  	v3 =	vor.u32 v3, v4  }
0x76: {  	v4 =	vperm.xlane v3, v0;
	_ =	sdelay $0x1  }
0x77: {  	v3 =	vperm.xlane v3, v2;
	v4 =	vadd.s32 v1, v4;
	_ =	sdelay $0x1  }
0x78: {  	v3 =	vadd.s32 v1, v3;
	_ =	sdelay $0x1  }
0x79: {  	s22 =	simm.s32 $0x3100  }
0x7a: {  	[tilespmem:s22], [sflag:$0x2] =	stream.indirect_vreg.gather [hbm4b:s1+s4], $0x80, v4, vm0, $0xb8;
	[tilespmem:$0x1E100] =	vst v63  }
0x7b: {  	s23 =	simm.s32 $0x3900  }
0x7c: {  	[tilespmem:s23], [sflag:$0x2] =	stream.indirect_vreg.gather [hbm4b:s1+s4], $0x80, v3, vm0, $0xb8;
	[tilespmem:$0x1E100] =	vst v63  }
0x7d: {  	v3 =	vld [tilespmem:$0x20];
	_ =	sdelay $0x4  }
0x7e: {  	v38 =	vshll.u32 v3, $0x4  }
0x7f: {  	v3 =	vand.u32 $0x7, v3;
	v4 =	vand.u32 $0xFFFFFF80, v38  }
0x80: {  	v3 =	vor.u32 v3, v4  }
0x81: {  	v4 =	vperm.xlane v3, v0;
	_ =	sdelay $0x1  }
0x82: {  	v4 =	vadd.s32 v1, v4;
	_ =	sdelay $0x4  }
0x83: {  	[tilespmem:s18], [sflag:$0x5] =	stream.indirect_vreg.gather [hbm4b:s2+s4], $0x80, v4, vm0, $0xb8;
	[tilespmem:$0x1E100] =	vst v63  }
0x84: {  	s22 =	simm.s32 $0xE900;
	v3 =	vperm.xlane v3, v2  }
0x85: {  	[tilespmem:s22], [sflag:$0x5] =	stream.indirect_vreg.gather [hbm4b:s5+s4], $0x80, v4, vm0, $0xb8;
	[tilespmem:$0x1E100] =	vst v63  }
0x86: {  	s23 =	simm.s32 $0xF100;
	v3 =	vadd.s32 v1, v3  }
0x87: {  	[tilespmem:s23], [sflag:$0x5] =	stream.indirect_vreg.gather [hbm4b:s6+s4], $0x80, v4, vm0, $0xb8;
	[tilespmem:$0x1E100] =	vst v63  }
0x88: {  	s22 =	simm.s32 $0xF900  }
0x89: {  	[tilespmem:s22], [sflag:$0x5] =	stream.indirect_vreg.gather [hbm4b:s7+s4], $0x80, v4, vm0, $0xb8;
	[tilespmem:$0x1E100] =	vst v63  }
0x8a: {  	s23 =	simm.s32 $0x10100  }
0x8b: {  	[tilespmem:s23], [sflag:$0x5] =	stream.indirect_vreg.gather [hbm4b:s2+s4], $0x80, v3, vm0, $0xb8;
	[tilespmem:$0x1E100] =	vst v63  }
0x8c: {  	s22 =	simm.s32 $0x10900  }
0x8d: {  	[tilespmem:s22], [sflag:$0x5] =	stream.indirect_vreg.gather [hbm4b:s5+s4], $0x80, v3, vm0, $0xb8;
	[tilespmem:$0x1E100] =	vst v63  }
0x8e: {  	s23 =	simm.s32 $0x11100  }
0x8f: {  	[tilespmem:s23], [sflag:$0x5] =	stream.indirect_vreg.gather [hbm4b:s6+s4], $0x80, v3, vm0, $0xb8;
	[tilespmem:$0x1E100] =	vst v63  }
0x90: {  	s22 =	simm.s32 $0x11900  }
0x91: {  	[tilespmem:s22], [sflag:$0x5] =	stream.indirect_vreg.gather [hbm4b:s7+s4], $0x80, v3, vm0, $0xb8;
	[tilespmem:$0x1E100] =	vst v63  }
0x92: {  	v3 =	vld [tilespmem:$0x30];
	_ =	sdelay $0x4  }
0x93: {  	v39 =	vshll.u32 v3, $0x4  }
0x94: {  	v3 =	vand.u32 $0x7, v3;
	v4 =	vand.u32 $0xFFFFFF80, v39  }
0x95: {  	v3 =	vor.u32 v3, v4  }
0x96: {  	v4 =	vperm.xlane v3, v0;
	_ =	sdelay $0x1  }
0x97: {  	v4 =	vadd.s32 v1, v4;
	_ =	sdelay $0x3  }
0x98: {  	s23 =	simm.s32 $0x12100  }
0x99: {  	[tilespmem:s23], [sflag:$0x5] =	stream.indirect_vreg.gather [hbm4b:s2+s4], $0x80, v4, vm0, $0xb8;
	[tilespmem:$0x1E100] =	vst v63  }
0x9a: {  	s22 =	simm.s32 $0x12900;
	v3 =	vperm.xlane v3, v2  }
0x9b: {  	[tilespmem:s22], [sflag:$0x5] =	stream.indirect_vreg.gather [hbm4b:s5+s4], $0x80, v4, vm0, $0xb8;
	[tilespmem:$0x1E100] =	vst v63  }
0x9c: {  	v3 =	vadd.s32 v1, v3;
	s23 =	simm.s32 $0x13100  }
0x9d: {  	[tilespmem:s23], [sflag:$0x5] =	stream.indirect_vreg.gather [hbm4b:s6+s4], $0x80, v4, vm0, $0xb8;
	[tilespmem:$0x1E100] =	vst v63  }
0x9e: {  	s22 =	simm.s32 $0x13900  }
0x9f: {  	[tilespmem:s22], [sflag:$0x5] =	stream.indirect_vreg.gather [hbm4b:s7+s4], $0x80, v4, vm0, $0xb8;
	[tilespmem:$0x1E100] =	vst v63  }
0xa0: {  	s23 =	simm.s32 $0x14100  }
0xa1: {  	[tilespmem:s23], [sflag:$0x5] =	stream.indirect_vreg.gather [hbm4b:s2+s4], $0x80, v3, vm0, $0xb8;
	[tilespmem:$0x1E100] =	vst v63  }
0xa2: {  	s22 =	simm.s32 $0x14900  }
0xa3: {  	[tilespmem:s22], [sflag:$0x5] =	stream.indirect_vreg.gather [hbm4b:s5+s4], $0x80, v3, vm0, $0xb8;
	[tilespmem:$0x1E100] =	vst v63  }
0xa4: {  	s23 =	simm.s32 $0x15100  }
0xa5: {  	[tilespmem:s23], [sflag:$0x5] =	stream.indirect_vreg.gather [hbm4b:s6+s4], $0x80, v3, vm0, $0xb8;
	[tilespmem:$0x1E100] =	vst v63  }
0xa6: {  	s22 =	simm.s32 $0x15900  }
0xa7: {  	[tilespmem:s22], [sflag:$0x5] =	stream.indirect_vreg.gather [hbm4b:s7+s4], $0x80, v3, vm0, $0xb8;
	[tilespmem:$0x1E100] =	vst v63  }
0xa8: {  	v3 =	vld [tilespmem:$0x40];
	_ =	sdelay $0x4  }
0xa9: {  	v40 =	vshll.u32 v3, $0x1  }
0xaa: {  	v3 =	vand.u32 $0x7, v3;
	v4 =	vand.u32 $0xFFFFFFF0, v40  }
0xab: {  	v3 =	vor.u32 v3, v4  }
0xac: {  	v4 =	vperm.xlane v3, v0;
	_ =	sdelay $0x1  }
0xad: {  	v3 =	vperm.xlane v3, v2;
	v4 =	vadd.s32 v1, v4;
	_ =	sdelay $0x1  }
0xae: {  	v3 =	vadd.s32 v1, v3;
	_ =	sdelay $0x1  }
0xaf: {  	s23 =	simm.s32 $0x4100  }
0xb0: {  	[tilespmem:s23], [sflag:$0x3] =	stream.indirect_vreg.gather [hbm4b:s1+s4], $0x80, v4, vm0, $0xb8;
	[tilespmem:$0x1E100] =	vst v63  }
0xb1: {  	s22 =	simm.s32 $0x4900  }
0xb2: {  	[tilespmem:s22], [sflag:$0x3] =	stream.indirect_vreg.gather [hbm4b:s1+s4], $0x80, v3, vm0, $0xb8;
	[tilespmem:$0x1E100] =	vst v63  }
0xb3: {  	v3 =	vld [tilespmem:$0x50];
	_ =	sdelay $0x4  }
0xb4: {  	v41 =	vshll.u32 v3, $0x1  }
0xb5: {  	v3 =	vand.u32 $0x7, v3;
	v4 =	vand.u32 $0xFFFFFFF0, v41  }
0xb6: {  	v3 =	vor.u32 v3, v4  }
0xb7: {  	v4 =	vperm.xlane v3, v0;
	_ =	sdelay $0x1  }
0xb8: {  	v3 =	vperm.xlane v3, v2;
	v4 =	vadd.s32 v1, v4;
	_ =	sdelay $0x1  }
0xb9: {  	v3 =	vadd.s32 v1, v3;
	_ =	sdelay $0x2  }
0xba: {  	[tilespmem:s25], [sflag:$0x3] =	stream.indirect_vreg.gather [hbm4b:s1+s4], $0x80, v4, vm0, $0xb8;
	[tilespmem:$0x1E100] =	vst v63  }
0xbb: {  	_ = 	snop  }
0xbc: {  	[tilespmem:s26], [sflag:$0x3] =	stream.indirect_vreg.gather [hbm4b:s1+s4], $0x80, v3, vm0, $0xb8;
	[tilespmem:$0x1E100] =	vst v63  }
0xbd: {  	v3 =	vld [tilespmem:$0x40];
	_ =	sdelay $0x4  }
0xbe: {  	v42 =	vshll.u32 v3, $0x4  }
0xbf: {  	v3 =	vand.u32 $0x7, v3;
	v4 =	vand.u32 $0xFFFFFF80, v42  }
0xc0: {  	v3 =	vor.u32 v3, v4  }
0xc1: {  	v4 =	vperm.xlane v3, v0;
	_ =	sdelay $0x1  }
0xc2: {  	v4 =	vadd.s32 v1, v4;
	_ =	sdelay $0x3  }
0xc3: {  	s23 =	simm.s32 $0x16100  }
0xc4: {  	[tilespmem:s23], [sflag:$0x6] =	stream.indirect_vreg.gather [hbm4b:s2+s4], $0x80, v4, vm0, $0xb8;
	[tilespmem:$0x1E100] =	vst v63  }
0xc5: {  	v3 =	vperm.xlane v3, v2  }
0xc6: {  	[tilespmem:s29], [sflag:$0x6] =	stream.indirect_vreg.gather [hbm4b:s5+s4], $0x80, v4, vm0, $0xb8;
	[tilespmem:$0x1E100] =	vst v63  }
0xc7: {  	v3 =	vadd.s32 v1, v3  }
0xc8: {  	[tilespmem:s30], [sflag:$0x6] =	stream.indirect_vreg.gather [hbm4b:s6+s4], $0x80, v4, vm0, $0xb8;
	[tilespmem:$0x1E100] =	vst v63  }
0xc9: {  	s22 =	simm.s32 $0x17900  }
0xca: {  	[tilespmem:s22], [sflag:$0x6] =	stream.indirect_vreg.gather [hbm4b:s7+s4], $0x80, v4, vm0, $0xb8;
	[tilespmem:$0x1E100] =	vst v63  }
0xcb: {  	s23 =	simm.s32 $0x18100  }
0xcc: {  	[tilespmem:s23], [sflag:$0x6] =	stream.indirect_vreg.gather [hbm4b:s2+s4], $0x80, v3, vm0, $0xb8;
	[tilespmem:$0x1E100] =	vst v63  }
0xcd: {  	s22 =	simm.s32 $0x18900  }
0xce: {  	[tilespmem:s22], [sflag:$0x6] =	stream.indirect_vreg.gather [hbm4b:s5+s4], $0x80, v3, vm0, $0xb8;
	[tilespmem:$0x1E100] =	vst v63  }
0xcf: {  	s23 =	simm.s32 $0x19100  }
0xd0: {  	[tilespmem:s23], [sflag:$0x6] =	stream.indirect_vreg.gather [hbm4b:s6+s4], $0x80, v3, vm0, $0xb8;
	[tilespmem:$0x1E100] =	vst v63  }
0xd1: {  	_ = 	snop  }
0xd2: {  	[tilespmem:s28], [sflag:$0x6] =	stream.indirect_vreg.gather [hbm4b:s7+s4], $0x80, v3, vm0, $0xb8;
	[tilespmem:$0x1E100] =	vst v63  }
0xd3: {  	v3 =	vld [tilespmem:$0x50];
	_ =	sdelay $0x4  }
0xd4: {  	v43 =	vshll.u32 v3, $0x4  }
0xd5: {  	v3 =	vand.u32 $0x7, v3;
	v4 =	vand.u32 $0xFFFFFF80, v43  }
0xd6: {  	v3 =	vor.u32 v3, v4  }
0xd7: {  	v4 =	vperm.xlane v3, v0;
	_ =	sdelay $0x1  }
0xd8: {  	v4 =	vadd.s32 v1, v4;
	_ =	sdelay $0x3  }
0xd9: {  	s22 =	simm.s32 $0x1A100  }
0xda: {  	[tilespmem:s22], [sflag:$0x6] =	stream.indirect_vreg.gather [hbm4b:s2+s4], $0x80, v4, vm0, $0xb8;
	[tilespmem:$0x1E100] =	vst v63  }
0xdb: {  	s23 =	simm.s32 $0x1A900;
	v3 =	vperm.xlane v3, v2  }
0xdc: {  	[tilespmem:s23], [sflag:$0x6] =	stream.indirect_vreg.gather [hbm4b:s5+s4], $0x80, v4, vm0, $0xb8;
	[tilespmem:$0x1E100] =	vst v63  }
0xdd: {  	v3 =	vadd.s32 v1, v3;
	s22 =	simm.s32 $0x1B100  }
0xde: {  	[tilespmem:s22], [sflag:$0x6] =	stream.indirect_vreg.gather [hbm4b:s6+s4], $0x80, v4, vm0, $0xb8;
	[tilespmem:$0x1E100] =	vst v63  }
0xdf: {  	s23 =	simm.s32 $0x1B900  }
0xe0: {  	[tilespmem:s23], [sflag:$0x6] =	stream.indirect_vreg.gather [hbm4b:s7+s4], $0x80, v4, vm0, $0xb8;
	[tilespmem:$0x1E100] =	vst v63  }
0xe1: {  	s22 =	simm.s32 $0x1C100  }
0xe2: {  	[tilespmem:s22], [sflag:$0x6] =	stream.indirect_vreg.gather [hbm4b:s2+s4], $0x80, v3, vm0, $0xb8;
	[tilespmem:$0x1E100] =	vst v63  }
0xe3: {  	s23 =	simm.s32 $0x1C900  }
0xe4: {  	[tilespmem:s23], [sflag:$0x6] =	stream.indirect_vreg.gather [hbm4b:s5+s4], $0x80, v3, vm0, $0xb8;
	[tilespmem:$0x1E100] =	vst v63  }
0xe5: {  	s22 =	simm.s32 $0x1D100  }
0xe6: {  	[tilespmem:s22], [sflag:$0x6] =	stream.indirect_vreg.gather [hbm4b:s6+s4], $0x80, v3, vm0, $0xb8;
	[tilespmem:$0x1E100] =	vst v63  }
0xe7: {  	s23 =	simm.s32 $0x1D900  }
0xe8: {  	[tilespmem:s23], [sflag:$0x6] =	stream.indirect_vreg.gather [hbm4b:s7+s4], $0x80, v3, vm0, $0xb8;
	[tilespmem:$0x1E100] =	vst v63  }
0xe9: {  	_ =	swait.ge [sflag:s24], $0x2000  }
0xea: {  	[sflag:s24] =	ssyncset.done $0x0  }
0xeb: {  	[sflag:s24] =	ssyncadd.s32 $0xFFFFE000  }
0xec: {  	_ =	swait.ge [sflag:s0], $0x8000  }
0xed: {  	[sflag:s0] =	ssyncset.done $0x0  }
0xee: {  	s3 =	rddreg [dreg:$0x7];
	[sflag:s0] =	ssyncadd.s32 $0xFFFF8000  }
0xef: {  	[hbm4b:s3+s4] =	stream.linear.scatter [tilespmem:s14], [sflag:$0x7], $0x2000, $0x38;
	[tilespmem:$0x1E100] =	vst v63  }
0xf0: {  	s23 =	rddreg [dreg:$0x8]  }
0xf1: {  	[hbm4b:s23+s4] =	stream.linear.scatter [tilespmem:s31], [sflag:$0xA], $0x8000, $0x38;
	[tilespmem:$0x1E100] =	vst v63  }
0xf2: {  	_ =	swait.ge [sflag:s9], $0x2000  }
0xf3: {  	[sflag:s9] =	ssyncset.done $0x0  }
0xf4: {  	[sflag:s9] =	ssyncadd.s32 $0xFFFFE000  }
0xf5: {  	_ =	swait.ge [sflag:s12], $0x8000  }
0xf6: {  	[sflag:s12] =	ssyncset.done $0x0  }
0xf7: {  	[sflag:s12] =	ssyncadd.s32 $0xFFFF8000  }
0xf8: {  	v3 =	vld [tilespmem:$0x60];
	_ =	sdelay $0x4  }
0xf9: {  	v44 =	vshll.u32 v3, $0x1  }
0xfa: {  	v3 =	vand.u32 $0x7, v3;
	v4 =	vand.u32 $0xFFFFFFF0, v44  }
0xfb: {  	v3 =	vor.u32 v3, v4  }
0xfc: {  	v4 =	vperm.xlane v3, v0;
	_ =	sdelay $0x1  }
0xfd: {  	v3 =	vperm.xlane v3, v2;
	v4 =	vadd.s32 v1, v4;
	_ =	sdelay $0x1  }
0xfe: {  	v3 =	vadd.s32 v1, v3;
	_ =	sdelay $0x2  }
0xff: {  	[tilespmem:s14], [sflag:$0x1] =	stream.indirect_vreg.gather [hbm4b:s1+s4], $0x80, v4, vm0, $0xb8;
	[tilespmem:$0x1E100] =	vst v63  }
0x100: {  	s11 =	simm.s32 $0x900  }
0x101: {  	[tilespmem:s11], [sflag:$0x1] =	stream.indirect_vreg.gather [hbm4b:s1+s4], $0x80, v3, vm0, $0xb8;
	[tilespmem:$0x1E100] =	vst v63  }
0x102: {  	v3 =	vld [tilespmem:$0x70];
	_ =	sdelay $0x4  }
0x103: {  	v45 =	vshll.u32 v3, $0x1  }
0x104: {  	v3 =	vand.u32 $0x7, v3;
	v4 =	vand.u32 $0xFFFFFFF0, v45  }
0x105: {  	v3 =	vor.u32 v3, v4  }
0x106: {  	v4 =	vperm.xlane v3, v0;
	_ =	sdelay $0x1  }
0x107: {  	v3 =	vperm.xlane v3, v2;
	v4 =	vadd.s32 v1, v4;
	_ =	sdelay $0x1  }
0x108: {  	v3 =	vadd.s32 v1, v3;
	_ =	sdelay $0x1  }
0x109: {  	s11 =	simm.s32 $0x1100  }
0x10a: {  	[tilespmem:s11], [sflag:$0x1] =	stream.indirect_vreg.gather [hbm4b:s1+s4], $0x80, v4, vm0, $0xb8;
	[tilespmem:$0x1E100] =	vst v63  }
0x10b: {  	s19 =	simm.s32 $0x1900  }
0x10c: {  	[tilespmem:s19], [sflag:$0x1] =	stream.indirect_vreg.gather [hbm4b:s1+s4], $0x80, v3, vm0, $0xb8;
	[tilespmem:$0x1E100] =	vst v63  }
0x10d: {  	v3 =	vld [tilespmem:$0x60];
	_ =	sdelay $0x4  }
0x10e: {  	v46 =	vshll.u32 v3, $0x4  }
0x10f: {  	v3 =	vand.u32 $0x7, v3;
	v4 =	vand.u32 $0xFFFFFF80, v46  }
0x110: {  	v3 =	vor.u32 v3, v4  }
0x111: {  	v4 =	vperm.xlane v3, v0;
	_ =	sdelay $0x1  }
0x112: {  	v4 =	vadd.s32 v1, v4;
	_ =	sdelay $0x4  }
0x113: {  	[tilespmem:s31], [sflag:$0x4] =	stream.indirect_vreg.gather [hbm4b:s2+s4], $0x80, v4, vm0, $0xb8;
	[tilespmem:$0x1E100] =	vst v63  }
0x114: {  	s20 =	simm.s32 $0x6900;
	v3 =	vperm.xlane v3, v2  }
0x115: {  	[tilespmem:s20], [sflag:$0x4] =	stream.indirect_vreg.gather [hbm4b:s5+s4], $0x80, v4, vm0, $0xb8;
	[tilespmem:$0x1E100] =	vst v63  }
0x116: {  	s22 =	simm.s32 $0x7100;
	v3 =	vadd.s32 v1, v3  }
0x117: {  	[tilespmem:s22], [sflag:$0x4] =	stream.indirect_vreg.gather [hbm4b:s6+s4], $0x80, v4, vm0, $0xb8;
	[tilespmem:$0x1E100] =	vst v63  }
0x118: {  	s23 =	simm.s32 $0x7900  }
0x119: {  	[tilespmem:s23], [sflag:$0x4] =	stream.indirect_vreg.gather [hbm4b:s7+s4], $0x80, v4, vm0, $0xb8;
	[tilespmem:$0x1E100] =	vst v63  }
0x11a: {  	s11 =	simm.s32 $0x8100  }
0x11b: {  	[tilespmem:s11], [sflag:$0x4] =	stream.indirect_vreg.gather [hbm4b:s2+s4], $0x80, v3, vm0, $0xb8;
	[tilespmem:$0x1E100] =	vst v63  }
0x11c: {  	s19 =	simm.s32 $0x8900  }
0x11d: {  	[tilespmem:s19], [sflag:$0x4] =	stream.indirect_vreg.gather [hbm4b:s5+s4], $0x80, v3, vm0, $0xb8;
	[tilespmem:$0x1E100] =	vst v63  }
0x11e: {  	s20 =	simm.s32 $0x9100  }
0x11f: {  	[tilespmem:s20], [sflag:$0x4] =	stream.indirect_vreg.gather [hbm4b:s6+s4], $0x80, v3, vm0, $0xb8;
	[tilespmem:$0x1E100] =	vst v63  }
0x120: {  	s21 =	simm.s32 $0x9900  }
0x121: {  	[tilespmem:s21], [sflag:$0x4] =	stream.indirect_vreg.gather [hbm4b:s7+s4], $0x80, v3, vm0, $0xb8;
	[tilespmem:$0x1E100] =	vst v63  }
0x122: {  	v3 =	vld [tilespmem:$0x70];
	_ =	sdelay $0x4  }
0x123: {  	v47 =	vshll.u32 v3, $0x4  }
0x124: {  	v3 =	vand.u32 $0x7, v3;
	v4 =	vand.u32 $0xFFFFFF80, v47  }
0x125: {  	v3 =	vor.u32 v3, v4  }
0x126: {  	v4 =	vperm.xlane v3, v0;
	_ =	sdelay $0x1  }
0x127: {  	v4 =	vadd.s32 v1, v4;
	_ =	sdelay $0x3  }
0x128: {  	s22 =	simm.s32 $0xA100  }
0x129: {  	[tilespmem:s22], [sflag:$0x4] =	stream.indirect_vreg.gather [hbm4b:s2+s4], $0x80, v4, vm0, $0xb8;
	[tilespmem:$0x1E100] =	vst v63  }
0x12a: {  	s23 =	simm.s32 $0xA900;
	v3 =	vperm.xlane v3, v2  }
0x12b: {  	[tilespmem:s23], [sflag:$0x4] =	stream.indirect_vreg.gather [hbm4b:s5+s4], $0x80, v4, vm0, $0xb8;
	[tilespmem:$0x1E100] =	vst v63  }
0x12c: {  	s11 =	simm.s32 $0xB100;
	v3 =	vadd.s32 v1, v3  }
0x12d: {  	[tilespmem:s11], [sflag:$0x4] =	stream.indirect_vreg.gather [hbm4b:s6+s4], $0x80, v4, vm0, $0xb8;
	[tilespmem:$0x1E100] =	vst v63  }
0x12e: {  	s19 =	simm.s32 $0xB900  }
0x12f: {  	[tilespmem:s19], [sflag:$0x4] =	stream.indirect_vreg.gather [hbm4b:s7+s4], $0x80, v4, vm0, $0xb8;
	[tilespmem:$0x1E100] =	vst v63  }
0x130: {  	s20 =	simm.s32 $0xC100  }
0x131: {  	[tilespmem:s20], [sflag:$0x4] =	stream.indirect_vreg.gather [hbm4b:s2+s4], $0x80, v3, vm0, $0xb8;
	[tilespmem:$0x1E100] =	vst v63  }
0x132: {  	s21 =	simm.s32 $0xC900  }
0x133: {  	[tilespmem:s21], [sflag:$0x4] =	stream.indirect_vreg.gather [hbm4b:s5+s4], $0x80, v3, vm0, $0xb8;
	[tilespmem:$0x1E100] =	vst v63  }
0x134: {  	s22 =	simm.s32 $0xD100  }
0x135: {  	[tilespmem:s22], [sflag:$0x4] =	stream.indirect_vreg.gather [hbm4b:s6+s4], $0x80, v3, vm0, $0xb8;
	[tilespmem:$0x1E100] =	vst v63  }
0x136: {  	s23 =	simm.s32 $0xD900  }
0x137: {  	[tilespmem:s23], [sflag:$0x4] =	stream.indirect_vreg.gather [hbm4b:s7+s4], $0x80, v3, vm0, $0xb8;
	[tilespmem:$0x1E100] =	vst v63  }
0x138: {  	_ =	swait.ge [sflag:s13], $0x2000  }
0x139: {  	[sflag:s13] =	ssyncset.done $0x0  }
0x13a: {  	[sflag:s13] =	ssyncadd.s32 $0xFFFFE000  }
0x13b: {  	_ =	swait.ge [sflag:s15], $0x8000  }
0x13c: {  	[sflag:s15] =	ssyncset.done $0x0  }
0x13d: {  	s3 =	rddreg [dreg:$0x9];
	[sflag:s15] =	ssyncadd.s32 $0xFFFF8000  }
0x13e: {  	[hbm4b:s3+s4] =	stream.linear.scatter [tilespmem:s10], [sflag:$0x8], $0x2000, $0x38;
	[tilespmem:$0x1E100] =	vst v63  }
0x13f: {  	s11 =	rddreg [dreg:$0xa]  }
0x140: {  	[hbm4b:s11+s4] =	stream.linear.scatter [tilespmem:s18], [sflag:$0xB], $0x8000, $0x38;
	[tilespmem:$0x1E100] =	vst v63  }
0x141: {  	_ =	swait.ge [sflag:s16], $0x2000  }
0x142: {  	[sflag:s16] =	ssyncset.done $0x0  }
0x143: {  	[sflag:s16] =	ssyncadd.s32 $0xFFFFE000  }
0x144: {  	_ =	swait.ge [sflag:s17], $0x8000  }
0x145: {  	[sflag:s17] =	ssyncset.done $0x0  }
0x146: {  	[sflag:s17] =	ssyncadd.s32 $0xFFFF8000  }
0x147: {  	v3 =	vld [tilespmem:$0x80];
	_ =	sdelay $0x4  }
0x148: {  	v48 =	vshll.u32 v3, $0x1  }
0x149: {  	v3 =	vand.u32 $0x7, v3;
	v4 =	vand.u32 $0xFFFFFFF0, v48  }
0x14a: {  	v3 =	vor.u32 v3, v4  }
0x14b: {  	v4 =	vperm.xlane v3, v0;
	_ =	sdelay $0x1  }
0x14c: {  	v3 =	vperm.xlane v3, v2;
	v4 =	vadd.s32 v1, v4;
	_ =	sdelay $0x1  }
0x14d: {  	v3 =	vadd.s32 v1, v3;
	_ =	sdelay $0x2  }
0x14e: {  	[tilespmem:s10], [sflag:$0x2] =	stream.indirect_vreg.gather [hbm4b:s1+s4], $0x80, v4, vm0, $0xb8;
	[tilespmem:$0x1E100] =	vst v63  }
0x14f: {  	s19 =	simm.s32 $0x2900  }
0x150: {  	[tilespmem:s19], [sflag:$0x2] =	stream.indirect_vreg.gather [hbm4b:s1+s4], $0x80, v3, vm0, $0xb8;
	[tilespmem:$0x1E100] =	vst v63  }
0x151: {  	v3 =	vld [tilespmem:$0x90];
	_ =	sdelay $0x4  }
0x152: {  	v49 =	vshll.u32 v3, $0x1  }
0x153: {  	v3 =	vand.u32 $0x7, v3;
	v4 =	vand.u32 $0xFFFFFFF0, v49  }
0x154: {  	v3 =	vor.u32 v3, v4  }
0x155: {  	v4 =	vperm.xlane v3, v0;
	_ =	sdelay $0x1  }
0x156: {  	v3 =	vperm.xlane v3, v2;
	v4 =	vadd.s32 v1, v4;
	_ =	sdelay $0x1  }
0x157: {  	v3 =	vadd.s32 v1, v3;
	_ =	sdelay $0x1  }
0x158: {  	s20 =	simm.s32 $0x3100  }
0x159: {  	[tilespmem:s20], [sflag:$0x2] =	stream.indirect_vreg.gather [hbm4b:s1+s4], $0x80, v4, vm0, $0xb8;
	[tilespmem:$0x1E100] =	vst v63  }
0x15a: {  	s21 =	simm.s32 $0x3900  }
0x15b: {  	[tilespmem:s21], [sflag:$0x2] =	stream.indirect_vreg.gather [hbm4b:s1+s4], $0x80, v3, vm0, $0xb8;
	[tilespmem:$0x1E100] =	vst v63  }
0x15c: {  	v3 =	vld [tilespmem:$0x80];
	_ =	sdelay $0x4  }
0x15d: {  	v50 =	vshll.u32 v3, $0x4  }
0x15e: {  	v3 =	vand.u32 $0x7, v3;
	v4 =	vand.u32 $0xFFFFFF80, v50  }
0x15f: {  	v3 =	vor.u32 v3, v4  }
0x160: {  	v4 =	vperm.xlane v3, v0;
	_ =	sdelay $0x1  }
0x161: {  	v4 =	vadd.s32 v1, v4;
	_ =	sdelay $0x4  }
0x162: {  	[tilespmem:s18], [sflag:$0x5] =	stream.indirect_vreg.gather [hbm4b:s2+s4], $0x80, v4, vm0, $0xb8;
	[tilespmem:$0x1E100] =	vst v63  }
0x163: {  	s22 =	simm.s32 $0xE900;
	v3 =	vperm.xlane v3, v2  }
0x164: {  	[tilespmem:s22], [sflag:$0x5] =	stream.indirect_vreg.gather [hbm4b:s5+s4], $0x80, v4, vm0, $0xb8;
	[tilespmem:$0x1E100] =	vst v63  }
0x165: {  	s23 =	simm.s32 $0xF100;
	v3 =	vadd.s32 v1, v3  }
0x166: {  	[tilespmem:s23], [sflag:$0x5] =	stream.indirect_vreg.gather [hbm4b:s6+s4], $0x80, v4, vm0, $0xb8;
	[tilespmem:$0x1E100] =	vst v63  }
0x167: {  	s11 =	simm.s32 $0xF900  }
0x168: {  	[tilespmem:s11], [sflag:$0x5] =	stream.indirect_vreg.gather [hbm4b:s7+s4], $0x80, v4, vm0, $0xb8;
	[tilespmem:$0x1E100] =	vst v63  }
0x169: {  	s19 =	simm.s32 $0x10100  }
0x16a: {  	[tilespmem:s19], [sflag:$0x5] =	stream.indirect_vreg.gather [hbm4b:s2+s4], $0x80, v3, vm0, $0xb8;
	[tilespmem:$0x1E100] =	vst v63  }
0x16b: {  	s20 =	simm.s32 $0x10900  }
0x16c: {  	[tilespmem:s20], [sflag:$0x5] =	stream.indirect_vreg.gather [hbm4b:s5+s4], $0x80, v3, vm0, $0xb8;
	[tilespmem:$0x1E100] =	vst v63  }
0x16d: {  	s21 =	simm.s32 $0x11100  }
0x16e: {  	[tilespmem:s21], [sflag:$0x5] =	stream.indirect_vreg.gather [hbm4b:s6+s4], $0x80, v3, vm0, $0xb8;
	[tilespmem:$0x1E100] =	vst v63  }
0x16f: {  	s22 =	simm.s32 $0x11900  }
0x170: {  	[tilespmem:s22], [sflag:$0x5] =	stream.indirect_vreg.gather [hbm4b:s7+s4], $0x80, v3, vm0, $0xb8;
	[tilespmem:$0x1E100] =	vst v63  }
0x171: {  	v3 =	vld [tilespmem:$0x90];
	_ =	sdelay $0x4  }
0x172: {  	v51 =	vshll.u32 v3, $0x4  }
0x173: {  	v3 =	vand.u32 $0x7, v3;
	v4 =	vand.u32 $0xFFFFFF80, v51  }
0x174: {  	v3 =	vor.u32 v3, v4  }
0x175: {  	v4 =	vperm.xlane v3, v0;
	_ =	sdelay $0x1  }
0x176: {  	v4 =	vadd.s32 v1, v4;
	_ =	sdelay $0x3  }
0x177: {  	s23 =	simm.s32 $0x12100  }
0x178: {  	[tilespmem:s23], [sflag:$0x5] =	stream.indirect_vreg.gather [hbm4b:s2+s4], $0x80, v4, vm0, $0xb8;
	[tilespmem:$0x1E100] =	vst v63  }
0x179: {  	s11 =	simm.s32 $0x12900;
	v3 =	vperm.xlane v3, v2  }
0x17a: {  	[tilespmem:s11], [sflag:$0x5] =	stream.indirect_vreg.gather [hbm4b:s5+s4], $0x80, v4, vm0, $0xb8;
	[tilespmem:$0x1E100] =	vst v63  }
0x17b: {  	s19 =	simm.s32 $0x13100;
	v3 =	vadd.s32 v1, v3  }
0x17c: {  	[tilespmem:s19], [sflag:$0x5] =	stream.indirect_vreg.gather [hbm4b:s6+s4], $0x80, v4, vm0, $0xb8;
	[tilespmem:$0x1E100] =	vst v63  }
0x17d: {  	s20 =	simm.s32 $0x13900  }
0x17e: {  	[tilespmem:s20], [sflag:$0x5] =	stream.indirect_vreg.gather [hbm4b:s7+s4], $0x80, v4, vm0, $0xb8;
	[tilespmem:$0x1E100] =	vst v63  }
0x17f: {  	s21 =	simm.s32 $0x14100  }
0x180: {  	[tilespmem:s21], [sflag:$0x5] =	stream.indirect_vreg.gather [hbm4b:s2+s4], $0x80, v3, vm0, $0xb8;
	[tilespmem:$0x1E100] =	vst v63  }
0x181: {  	s22 =	simm.s32 $0x14900  }
0x182: {  	[tilespmem:s22], [sflag:$0x5] =	stream.indirect_vreg.gather [hbm4b:s5+s4], $0x80, v3, vm0, $0xb8;
	[tilespmem:$0x1E100] =	vst v63  }
0x183: {  	s23 =	simm.s32 $0x15100  }
0x184: {  	[tilespmem:s23], [sflag:$0x5] =	stream.indirect_vreg.gather [hbm4b:s6+s4], $0x80, v3, vm0, $0xb8;
	[tilespmem:$0x1E100] =	vst v63  }
0x185: {  	s3 =	simm.s32 $0x3;
	s11 =	simm.s32 $0x15900  }
0x186: {  	[tilespmem:s11], [sflag:$0x5] =	stream.indirect_vreg.gather [hbm4b:s7+s4], $0x80, v3, vm0, $0xb8;
	[tilespmem:$0x1E100] =	vst v63  }
0x187: {  	_ =	swait.ge [sflag:s3], $0x2000  }
0x188: {  	[sflag:s3] =	ssyncset.done $0x0  }
0x189: {  	s11 =	simm.s32 $0x6;
	[sflag:s3] =	ssyncadd.s32 $0xFFFFE000  }
0x18a: {  	_ =	swait.ge [sflag:s11], $0x8000  }
0x18b: {  	[sflag:s11] =	ssyncset.done $0x0  }
0x18c: {  	s21 =	simm.s32 $0x4100;
	s19 =	rddreg [dreg:$0xb];
	[sflag:s11] =	ssyncadd.s32 $0xFFFF8000  }
0x18d: {  	[hbm4b:s19+s4] =	stream.linear.scatter [tilespmem:s21], [sflag:$0x9], $0x2000, $0x38;
	[tilespmem:$0x1E100] =	vst v63  }
0x18e: {  	s22 =	simm.s32 $0x16100;
	s20 =	rddreg [dreg:$0xc];
	s19 =	simm.s32 $0x9  }
0x18f: {  	[hbm4b:s20+s4] =	stream.linear.scatter [tilespmem:s22], [sflag:$0xC], $0x8000, $0x38;
	[tilespmem:$0x1E100] =	vst v63  }
0x190: {  	_ =	swait.ge [sflag:s19], $0x2000  }
0x191: {  	[sflag:s19] =	ssyncset.done $0x0  }
0x192: {  	s20 =	simm.s32 $0xC;
	[sflag:s19] =	ssyncadd.s32 $0xFFFFE000  }
0x193: {  	_ =	swait.ge [sflag:s20], $0x8000  }
0x194: {  	[sflag:s20] =	ssyncset.done $0x0  }
0x195: {  	[sflag:s20] =	ssyncadd.s32 $0xFFFF8000  }
0x196: {  	v3 =	vld [tilespmem:$0xA0];
	_ =	sdelay $0x4  }
0x197: {  	v52 =	vshll.u32 v3, $0x1  }
0x198: {  	v3 =	vand.u32 $0x7, v3;
	v4 =	vand.u32 $0xFFFFFFF0, v52  }
0x199: {  	v3 =	vor.u32 v3, v4  }
0x19a: {  	v4 =	vperm.xlane v3, v0;
	_ =	sdelay $0x1  }
0x19b: {  	v3 =	vperm.xlane v3, v2;
	v4 =	vadd.s32 v1, v4;
	_ =	sdelay $0x1  }
0x19c: {  	v3 =	vadd.s32 v1, v3;
	_ =	sdelay $0x2  }
0x19d: {  	[tilespmem:s21], [sflag:$0x3] =	stream.indirect_vreg.gather [hbm4b:s1+s4], $0x80, v4, vm0, $0xb8;
	[tilespmem:$0x1E100] =	vst v63  }
0x19e: {  	s23 =	simm.s32 $0x4900  }
0x19f: {  	[tilespmem:s23], [sflag:$0x3] =	stream.indirect_vreg.gather [hbm4b:s1+s4], $0x80, v3, vm0, $0xb8;
	[tilespmem:$0x1E100] =	vst v63  }
0x1a0: {  	v3 =	vld [tilespmem:$0xB0];
	_ =	sdelay $0x4  }
0x1a1: {  	v53 =	vshll.u32 v3, $0x1  }
0x1a2: {  	v3 =	vand.u32 $0x7, v3;
	v4 =	vand.u32 $0xFFFFFFF0, v53  }
0x1a3: {  	v3 =	vor.u32 v3, v4  }
0x1a4: {  	v4 =	vperm.xlane v3, v0;
	_ =	sdelay $0x1  }
0x1a5: {  	v3 =	vperm.xlane v3, v2;
	v4 =	vadd.s32 v1, v4;
	_ =	sdelay $0x1  }
0x1a6: {  	v3 =	vadd.s32 v1, v3;
	_ =	sdelay $0x2  }
0x1a7: {  	[tilespmem:s25], [sflag:$0x3] =	stream.indirect_vreg.gather [hbm4b:s1+s4], $0x80, v4, vm0, $0xb8;
	[tilespmem:$0x1E100] =	vst v63  }
0x1a8: {  	_ = 	snop  }
0x1a9: {  	[tilespmem:s26], [sflag:$0x3] =	stream.indirect_vreg.gather [hbm4b:s1+s4], $0x80, v3, vm0, $0xb8;
	[tilespmem:$0x1E100] =	vst v63  }
0x1aa: {  	v3 =	vld [tilespmem:$0xA0];
	_ =	sdelay $0x4  }
0x1ab: {  	v54 =	vshll.u32 v3, $0x4  }
0x1ac: {  	v3 =	vand.u32 $0x7, v3;
	v4 =	vand.u32 $0xFFFFFF80, v54  }
0x1ad: {  	v3 =	vor.u32 v3, v4  }
0x1ae: {  	v4 =	vperm.xlane v3, v0;
	_ =	sdelay $0x1  }
0x1af: {  	v4 =	vadd.s32 v1, v4;
	_ =	sdelay $0x4  }
0x1b0: {  	[tilespmem:s22], [sflag:$0x6] =	stream.indirect_vreg.gather [hbm4b:s2+s4], $0x80, v4, vm0, $0xb8;
	[tilespmem:$0x1E100] =	vst v63  }
0x1b1: {  	v3 =	vperm.xlane v3, v2  }
0x1b2: {  	[tilespmem:s29], [sflag:$0x6] =	stream.indirect_vreg.gather [hbm4b:s5+s4], $0x80, v4, vm0, $0xb8;
	[tilespmem:$0x1E100] =	vst v63  }
0x1b3: {  	v3 =	vadd.s32 v1, v3  }
0x1b4: {  	[tilespmem:s30], [sflag:$0x6] =	stream.indirect_vreg.gather [hbm4b:s6+s4], $0x80, v4, vm0, $0xb8;
	[tilespmem:$0x1E100] =	vst v63  }
0x1b5: {  	s23 =	simm.s32 $0x17900  }
0x1b6: {  	[tilespmem:s23], [sflag:$0x6] =	stream.indirect_vreg.gather [hbm4b:s7+s4], $0x80, v4, vm0, $0xb8;
	[tilespmem:$0x1E100] =	vst v63  }
0x1b7: {  	s23 =	simm.s32 $0x18100  }
0x1b8: {  	[tilespmem:s23], [sflag:$0x6] =	stream.indirect_vreg.gather [hbm4b:s2+s4], $0x80, v3, vm0, $0xb8;
	[tilespmem:$0x1E100] =	vst v63  }
0x1b9: {  	s23 =	simm.s32 $0x18900  }
0x1ba: {  	[tilespmem:s23], [sflag:$0x6] =	stream.indirect_vreg.gather [hbm4b:s5+s4], $0x80, v3, vm0, $0xb8;
	[tilespmem:$0x1E100] =	vst v63  }
0x1bb: {  	s23 =	simm.s32 $0x19100  }
0x1bc: {  	[tilespmem:s23], [sflag:$0x6] =	stream.indirect_vreg.gather [hbm4b:s6+s4], $0x80, v3, vm0, $0xb8;
	[tilespmem:$0x1E100] =	vst v63  }
0x1bd: {  	_ = 	snop  }
0x1be: {  	[tilespmem:s28], [sflag:$0x6] =	stream.indirect_vreg.gather [hbm4b:s7+s4], $0x80, v3, vm0, $0xb8;
	[tilespmem:$0x1E100] =	vst v63  }
0x1bf: {  	v3 =	vld [tilespmem:$0xB0];
	_ =	sdelay $0x4  }
0x1c0: {  	v55 =	vshll.u32 v3, $0x4  }
0x1c1: {  	v3 =	vand.u32 $0x7, v3;
	v4 =	vand.u32 $0xFFFFFF80, v55  }
0x1c2: {  	v3 =	vor.u32 v3, v4  }
0x1c3: {  	v4 =	vperm.xlane v3, v0;
	_ =	sdelay $0x1  }
0x1c4: {  	v4 =	vadd.s32 v1, v4;
	_ =	sdelay $0x3  }
0x1c5: {  	s23 =	simm.s32 $0x1A100  }
0x1c6: {  	[tilespmem:s23], [sflag:$0x6] =	stream.indirect_vreg.gather [hbm4b:s2+s4], $0x80, v4, vm0, $0xb8;
	[tilespmem:$0x1E100] =	vst v63  }
0x1c7: {  	v3 =	vperm.xlane v3, v2;
	s23 =	simm.s32 $0x1A900  }
0x1c8: {  	[tilespmem:s23], [sflag:$0x6] =	stream.indirect_vreg.gather [hbm4b:s5+s4], $0x80, v4, vm0, $0xb8;
	[tilespmem:$0x1E100] =	vst v63  }
0x1c9: {  	v3 =	vadd.s32 v1, v3;
	s23 =	simm.s32 $0x1B100  }
0x1ca: {  	[tilespmem:s23], [sflag:$0x6] =	stream.indirect_vreg.gather [hbm4b:s6+s4], $0x80, v4, vm0, $0xb8;
	[tilespmem:$0x1E100] =	vst v63  }
0x1cb: {  	s23 =	simm.s32 $0x1B900  }
0x1cc: {  	[tilespmem:s23], [sflag:$0x6] =	stream.indirect_vreg.gather [hbm4b:s7+s4], $0x80, v4, vm0, $0xb8;
	[tilespmem:$0x1E100] =	vst v63  }
0x1cd: {  	s23 =	simm.s32 $0x1C100  }
0x1ce: {  	[tilespmem:s23], [sflag:$0x6] =	stream.indirect_vreg.gather [hbm4b:s2+s4], $0x80, v3, vm0, $0xb8;
	[tilespmem:$0x1E100] =	vst v63  }
0x1cf: {  	s23 =	simm.s32 $0x1C900  }
0x1d0: {  	[tilespmem:s23], [sflag:$0x6] =	stream.indirect_vreg.gather [hbm4b:s5+s4], $0x80, v3, vm0, $0xb8;
	[tilespmem:$0x1E100] =	vst v63  }
0x1d1: {  	s23 =	simm.s32 $0x1D100  }
0x1d2: {  	[tilespmem:s23], [sflag:$0x6] =	stream.indirect_vreg.gather [hbm4b:s6+s4], $0x80, v3, vm0, $0xb8;
	[tilespmem:$0x1E100] =	vst v63  }
0x1d3: {  	s23 =	simm.s32 $0x1D900  }
0x1d4: {  	[tilespmem:s23], [sflag:$0x6] =	stream.indirect_vreg.gather [hbm4b:s7+s4], $0x80, v3, vm0, $0xb8;
	[tilespmem:$0x1E100] =	vst v63  }
0x1d5: {  	_ =	swait.ge [sflag:s24], $0x2000  }
0x1d6: {  	[sflag:s24] =	ssyncset.done $0x0  }
0x1d7: {  	[sflag:s24] =	ssyncadd.s32 $0xFFFFE000  }
0x1d8: {  	_ =	swait.ge [sflag:s0], $0x8000  }
0x1d9: {  	[sflag:s0] =	ssyncset.done $0x0  }
0x1da: {  	s22 =	rddreg [dreg:$0xd];
	[sflag:s0] =	ssyncadd.s32 $0xFFFF8000  }
0x1db: {  	[hbm4b:s22+s4] =	stream.linear.scatter [tilespmem:s14], [sflag:$0x7], $0x2000, $0x38;
	[tilespmem:$0x1E100] =	vst v63  }
0x1dc: {  	s23 =	rddreg [dreg:$0xe]  }
0x1dd: {  	[hbm4b:s23+s4] =	stream.linear.scatter [tilespmem:s31], [sflag:$0xA], $0x8000, $0x38;
	[tilespmem:$0x1E100] =	vst v63  }
0x1de: {  	_ =	swait.ge [sflag:s9], $0x2000  }
0x1df: {  	[sflag:s9] =	ssyncset.done $0x0  }
0x1e0: {  	[sflag:s9] =	ssyncadd.s32 $0xFFFFE000  }
0x1e1: {  	_ =	swait.ge [sflag:s12], $0x8000  }
0x1e2: {  	[sflag:s12] =	ssyncset.done $0x0  }
0x1e3: {  	[sflag:s12] =	ssyncadd.s32 $0xFFFF8000  }
0x1e4: {  	v3 =	vld [tilespmem:$0xC0];
	_ =	sdelay $0x4  }
0x1e5: {  	v56 =	vshll.u32 v3, $0x1  }
0x1e6: {  	v3 =	vand.u32 $0x7, v3;
	v4 =	vand.u32 $0xFFFFFFF0, v56  }
0x1e7: {  	v3 =	vor.u32 v3, v4  }
0x1e8: {  	v4 =	vperm.xlane v3, v0;
	_ =	sdelay $0x1  }
0x1e9: {  	v3 =	vperm.xlane v3, v2;
	v4 =	vadd.s32 v1, v4;
	_ =	sdelay $0x1  }
0x1ea: {  	v3 =	vadd.s32 v1, v3;
	_ =	sdelay $0x2  }
0x1eb: {  	[tilespmem:s14], [sflag:$0x1] =	stream.indirect_vreg.gather [hbm4b:s1+s4], $0x80, v4, vm0, $0xb8;
	[tilespmem:$0x1E100] =	vst v63  }
0x1ec: {  	s23 =	simm.s32 $0x900  }
0x1ed: {  	[tilespmem:s23], [sflag:$0x1] =	stream.indirect_vreg.gather [hbm4b:s1+s4], $0x80, v3, vm0, $0xb8;
	[tilespmem:$0x1E100] =	vst v63  }
0x1ee: {  	v3 =	vld [tilespmem:$0xD0];
	_ =	sdelay $0x4  }
0x1ef: {  	v57 =	vshll.u32 v3, $0x1  }
0x1f0: {  	v3 =	vand.u32 $0x7, v3;
	v4 =	vand.u32 $0xFFFFFFF0, v57  }
0x1f1: {  	v3 =	vor.u32 v3, v4  }
0x1f2: {  	v4 =	vperm.xlane v3, v0;
	_ =	sdelay $0x1  }
0x1f3: {  	v3 =	vperm.xlane v3, v2;
	v4 =	vadd.s32 v1, v4;
	_ =	sdelay $0x1  }
0x1f4: {  	v3 =	vadd.s32 v1, v3;
	_ =	sdelay $0x1  }
0x1f5: {  	s23 =	simm.s32 $0x1100  }
0x1f6: {  	[tilespmem:s23], [sflag:$0x1] =	stream.indirect_vreg.gather [hbm4b:s1+s4], $0x80, v4, vm0, $0xb8;
	[tilespmem:$0x1E100] =	vst v63  }
0x1f7: {  	s23 =	simm.s32 $0x1900  }
0x1f8: {  	[tilespmem:s23], [sflag:$0x1] =	stream.indirect_vreg.gather [hbm4b:s1+s4], $0x80, v3, vm0, $0xb8;
	[tilespmem:$0x1E100] =	vst v63  }
0x1f9: {  	v3 =	vld [tilespmem:$0xC0];
	_ =	sdelay $0x4  }
0x1fa: {  	v58 =	vshll.u32 v3, $0x4  }
0x1fb: {  	v3 =	vand.u32 $0x7, v3;
	v4 =	vand.u32 $0xFFFFFF80, v58  }
0x1fc: {  	v3 =	vor.u32 v3, v4  }
0x1fd: {  	v4 =	vperm.xlane v3, v0;
	_ =	sdelay $0x1  }
0x1fe: {  	v4 =	vadd.s32 v1, v4;
	_ =	sdelay $0x4  }
0x1ff: {  	[tilespmem:s31], [sflag:$0x4] =	stream.indirect_vreg.gather [hbm4b:s2+s4], $0x80, v4, vm0, $0xb8;
	[tilespmem:$0x1E100] =	vst v63  }
0x200: {  	s23 =	simm.s32 $0x6900;
	v3 =	vperm.xlane v3, v2  }
0x201: {  	[tilespmem:s23], [sflag:$0x4] =	stream.indirect_vreg.gather [hbm4b:s5+s4], $0x80, v4, vm0, $0xb8;
	[tilespmem:$0x1E100] =	vst v63  }
0x202: {  	v3 =	vadd.s32 v1, v3;
	s23 =	simm.s32 $0x7100  }
0x203: {  	[tilespmem:s23], [sflag:$0x4] =	stream.indirect_vreg.gather [hbm4b:s6+s4], $0x80, v4, vm0, $0xb8;
	[tilespmem:$0x1E100] =	vst v63  }
0x204: {  	s23 =	simm.s32 $0x7900  }
0x205: {  	[tilespmem:s23], [sflag:$0x4] =	stream.indirect_vreg.gather [hbm4b:s7+s4], $0x80, v4, vm0, $0xb8;
	[tilespmem:$0x1E100] =	vst v63  }
0x206: {  	s23 =	simm.s32 $0x8100  }
0x207: {  	[tilespmem:s23], [sflag:$0x4] =	stream.indirect_vreg.gather [hbm4b:s2+s4], $0x80, v3, vm0, $0xb8;
	[tilespmem:$0x1E100] =	vst v63  }
0x208: {  	s23 =	simm.s32 $0x8900  }
0x209: {  	[tilespmem:s23], [sflag:$0x4] =	stream.indirect_vreg.gather [hbm4b:s5+s4], $0x80, v3, vm0, $0xb8;
	[tilespmem:$0x1E100] =	vst v63  }
0x20a: {  	s23 =	simm.s32 $0x9100  }
0x20b: {  	[tilespmem:s23], [sflag:$0x4] =	stream.indirect_vreg.gather [hbm4b:s6+s4], $0x80, v3, vm0, $0xb8;
	[tilespmem:$0x1E100] =	vst v63  }
0x20c: {  	s23 =	simm.s32 $0x9900  }
0x20d: {  	[tilespmem:s23], [sflag:$0x4] =	stream.indirect_vreg.gather [hbm4b:s7+s4], $0x80, v3, vm0, $0xb8;
	[tilespmem:$0x1E100] =	vst v63  }
0x20e: {  	v3 =	vld [tilespmem:$0xD0];
	_ =	sdelay $0x4  }
0x20f: {  	v59 =	vshll.u32 v3, $0x4  }
0x210: {  	v3 =	vand.u32 $0x7, v3;
	v4 =	vand.u32 $0xFFFFFF80, v59  }
0x211: {  	v3 =	vor.u32 v3, v4  }
0x212: {  	v4 =	vperm.xlane v3, v0;
	_ =	sdelay $0x1  }
0x213: {  	v4 =	vadd.s32 v1, v4;
	_ =	sdelay $0x3  }
0x214: {  	s23 =	simm.s32 $0xA100  }
0x215: {  	[tilespmem:s23], [sflag:$0x4] =	stream.indirect_vreg.gather [hbm4b:s2+s4], $0x80, v4, vm0, $0xb8;
	[tilespmem:$0x1E100] =	vst v63  }
0x216: {  	v3 =	vperm.xlane v3, v2;
	s23 =	simm.s32 $0xA900  }
0x217: {  	[tilespmem:s23], [sflag:$0x4] =	stream.indirect_vreg.gather [hbm4b:s5+s4], $0x80, v4, vm0, $0xb8;
	[tilespmem:$0x1E100] =	vst v63  }
0x218: {  	v3 =	vadd.s32 v1, v3;
	s23 =	simm.s32 $0xB100  }
0x219: {  	[tilespmem:s23], [sflag:$0x4] =	stream.indirect_vreg.gather [hbm4b:s6+s4], $0x80, v4, vm0, $0xb8;
	[tilespmem:$0x1E100] =	vst v63  }
0x21a: {  	s23 =	simm.s32 $0xB900  }
0x21b: {  	[tilespmem:s23], [sflag:$0x4] =	stream.indirect_vreg.gather [hbm4b:s7+s4], $0x80, v4, vm0, $0xb8;
	[tilespmem:$0x1E100] =	vst v63  }
0x21c: {  	s23 =	simm.s32 $0xC100  }
0x21d: {  	[tilespmem:s23], [sflag:$0x4] =	stream.indirect_vreg.gather [hbm4b:s2+s4], $0x80, v3, vm0, $0xb8;
	[tilespmem:$0x1E100] =	vst v63  }
0x21e: {  	s23 =	simm.s32 $0xC900  }
0x21f: {  	[tilespmem:s23], [sflag:$0x4] =	stream.indirect_vreg.gather [hbm4b:s5+s4], $0x80, v3, vm0, $0xb8;
	[tilespmem:$0x1E100] =	vst v63  }
0x220: {  	s23 =	simm.s32 $0xD100  }
0x221: {  	[tilespmem:s23], [sflag:$0x4] =	stream.indirect_vreg.gather [hbm4b:s6+s4], $0x80, v3, vm0, $0xb8;
	[tilespmem:$0x1E100] =	vst v63  }
0x222: {  	s23 =	simm.s32 $0xD900  }
0x223: {  	[tilespmem:s23], [sflag:$0x4] =	stream.indirect_vreg.gather [hbm4b:s7+s4], $0x80, v3, vm0, $0xb8;
	[tilespmem:$0x1E100] =	vst v63  }
0x224: {  	_ =	swait.ge [sflag:s13], $0x2000  }
0x225: {  	[sflag:s13] =	ssyncset.done $0x0  }
0x226: {  	[sflag:s13] =	ssyncadd.s32 $0xFFFFE000  }
0x227: {  	_ =	swait.ge [sflag:s15], $0x8000  }
0x228: {  	[sflag:s15] =	ssyncset.done $0x0  }
0x229: {  	s22 =	rddreg [dreg:$0xf];
	[sflag:s15] =	ssyncadd.s32 $0xFFFF8000  }
0x22a: {  	[hbm4b:s22+s4] =	stream.linear.scatter [tilespmem:s10], [sflag:$0x8], $0x2000, $0x38;
	[tilespmem:$0x1E100] =	vst v63  }
0x22b: {  	s23 =	rddreg [dreg:$0x10]  }
0x22c: {  	[hbm4b:s23+s4] =	stream.linear.scatter [tilespmem:s18], [sflag:$0xB], $0x8000, $0x38;
	[tilespmem:$0x1E100] =	vst v63  }
0x22d: {  	_ =	swait.ge [sflag:s16], $0x2000  }
0x22e: {  	[sflag:s16] =	ssyncset.done $0x0  }
0x22f: {  	[sflag:s16] =	ssyncadd.s32 $0xFFFFE000  }
0x230: {  	_ =	swait.ge [sflag:s17], $0x8000  }
0x231: {  	[sflag:s17] =	ssyncset.done $0x0  }
0x232: {  	[sflag:s17] =	ssyncadd.s32 $0xFFFF8000  }
0x233: {  	v3 =	vld [tilespmem:$0xE0];
	_ =	sdelay $0x4  }
0x234: {  	v60 =	vshll.u32 v3, $0x1  }
0x235: {  	v3 =	vand.u32 $0x7, v3;
	v4 =	vand.u32 $0xFFFFFFF0, v60  }
0x236: {  	v3 =	vor.u32 v3, v4  }
0x237: {  	v4 =	vperm.xlane v3, v0;
	_ =	sdelay $0x1  }
0x238: {  	v3 =	vperm.xlane v3, v2;
	v4 =	vadd.s32 v1, v4;
	_ =	sdelay $0x1  }
0x239: {  	v3 =	vadd.s32 v1, v3;
	_ =	sdelay $0x2  }
0x23a: {  	[tilespmem:s10], [sflag:$0x2] =	stream.indirect_vreg.gather [hbm4b:s1+s4], $0x80, v4, vm0, $0xb8;
	[tilespmem:$0x1E100] =	vst v63  }
0x23b: {  	s23 =	simm.s32 $0x2900  }
0x23c: {  	[tilespmem:s23], [sflag:$0x2] =	stream.indirect_vreg.gather [hbm4b:s1+s4], $0x80, v3, vm0, $0xb8;
	[tilespmem:$0x1E100] =	vst v63  }
0x23d: {  	v3 =	vld [tilespmem:$0xF0];
	_ =	sdelay $0x4  }
0x23e: {  	v61 =	vshll.u32 v3, $0x1  }
0x23f: {  	v3 =	vand.u32 $0x7, v3;
	v4 =	vand.u32 $0xFFFFFFF0, v61  }
0x240: {  	v3 =	vor.u32 v3, v4  }
0x241: {  	v4 =	vperm.xlane v3, v0;
	_ =	sdelay $0x1  }
0x242: {  	v3 =	vperm.xlane v3, v2;
	v4 =	vadd.s32 v1, v4;
	_ =	sdelay $0x1  }
0x243: {  	v3 =	vadd.s32 v1, v3;
	_ =	sdelay $0x1  }
0x244: {  	s23 =	simm.s32 $0x3100  }
0x245: {  	[tilespmem:s23], [sflag:$0x2] =	stream.indirect_vreg.gather [hbm4b:s1+s4], $0x80, v4, vm0, $0xb8;
	[tilespmem:$0x1E100] =	vst v63  }
0x246: {  	s23 =	simm.s32 $0x3900  }
0x247: {  	[tilespmem:s23], [sflag:$0x2] =	stream.indirect_vreg.gather [hbm4b:s1+s4], $0x80, v3, vm0, $0xb8;
	[tilespmem:$0x1E100] =	vst v63  }
0x248: {  	v3 =	vld [tilespmem:$0xE0];
	_ =	sdelay $0x4  }
0x249: {  	v62 =	vshll.u32 v3, $0x4  }
0x24a: {  	v3 =	vand.u32 $0x7, v3;
	v4 =	vand.u32 $0xFFFFFF80, v62  }
0x24b: {  	v3 =	vor.u32 v3, v4  }
0x24c: {  	v4 =	vperm.xlane v3, v0;
	_ =	sdelay $0x1  }
0x24d: {  	v4 =	vadd.s32 v1, v4;
	_ =	sdelay $0x4  }
0x24e: {  	[tilespmem:s18], [sflag:$0x5] =	stream.indirect_vreg.gather [hbm4b:s2+s4], $0x80, v4, vm0, $0xb8;
	[tilespmem:$0x1E100] =	vst v63  }
0x24f: {  	s23 =	simm.s32 $0xE900;
	v3 =	vperm.xlane v3, v2  }
0x250: {  	[tilespmem:s23], [sflag:$0x5] =	stream.indirect_vreg.gather [hbm4b:s5+s4], $0x80, v4, vm0, $0xb8;
	[tilespmem:$0x1E100] =	vst v63  }
0x251: {  	v3 =	vadd.s32 v1, v3;
	s23 =	simm.s32 $0xF100  }
0x252: {  	[tilespmem:s23], [sflag:$0x5] =	stream.indirect_vreg.gather [hbm4b:s6+s4], $0x80, v4, vm0, $0xb8;
	[tilespmem:$0x1E100] =	vst v63  }
0x253: {  	s23 =	simm.s32 $0xF900  }
0x254: {  	[tilespmem:s23], [sflag:$0x5] =	stream.indirect_vreg.gather [hbm4b:s7+s4], $0x80, v4, vm0, $0xb8;
	[tilespmem:$0x1E100] =	vst v63  }
0x255: {  	s23 =	simm.s32 $0x10100  }
0x256: {  	[tilespmem:s23], [sflag:$0x5] =	stream.indirect_vreg.gather [hbm4b:s2+s4], $0x80, v3, vm0, $0xb8;
	[tilespmem:$0x1E100] =	vst v63  }
0x257: {  	s23 =	simm.s32 $0x10900  }
0x258: {  	[tilespmem:s23], [sflag:$0x5] =	stream.indirect_vreg.gather [hbm4b:s5+s4], $0x80, v3, vm0, $0xb8;
	[tilespmem:$0x1E100] =	vst v63  }
0x259: {  	s23 =	simm.s32 $0x11100  }
0x25a: {  	[tilespmem:s23], [sflag:$0x5] =	stream.indirect_vreg.gather [hbm4b:s6+s4], $0x80, v3, vm0, $0xb8;
	[tilespmem:$0x1E100] =	vst v63  }
0x25b: {  	s23 =	simm.s32 $0x11900  }
0x25c: {  	[tilespmem:s23], [sflag:$0x5] =	stream.indirect_vreg.gather [hbm4b:s7+s4], $0x80, v3, vm0, $0xb8;
	[tilespmem:$0x1E100] =	vst v63  }
0x25d: {  	v3 =	vld [tilespmem:$0xF0];
	_ =	sdelay $0x4  }
0x25e: {  	v63 =	vshll.u32 v3, $0x4  }
0x25f: {  	v3 =	vand.u32 $0x7, v3;
	v4 =	vand.u32 $0xFFFFFF80, v63  }
0x260: {  	v3 =	vor.u32 v3, v4  }
0x261: {  	v4 =	vperm.xlane v3, v0;
	_ =	sdelay $0x1  }
0x262: {  	v4 =	vadd.s32 v1, v4;
	_ =	sdelay $0x3  }
0x263: {  	s23 =	simm.s32 $0x12100  }
0x264: {  	[tilespmem:s23], [sflag:$0x5] =	stream.indirect_vreg.gather [hbm4b:s2+s4], $0x80, v4, vm0, $0xb8;
	[tilespmem:$0x1E100] =	vst v63  }
0x265: {  	v3 =	vperm.xlane v3, v2;
	s23 =	simm.s32 $0x12900  }
0x266: {  	[tilespmem:s23], [sflag:$0x5] =	stream.indirect_vreg.gather [hbm4b:s5+s4], $0x80, v4, vm0, $0xb8;
	[tilespmem:$0x1E100] =	vst v63  }
0x267: {  	v3 =	vadd.s32 v1, v3;
	s23 =	simm.s32 $0x13100  }
0x268: {  	[tilespmem:s23], [sflag:$0x5] =	stream.indirect_vreg.gather [hbm4b:s6+s4], $0x80, v4, vm0, $0xb8;
	[tilespmem:$0x1E100] =	vst v63  }
0x269: {  	s23 =	simm.s32 $0x13900  }
0x26a: {  	[tilespmem:s23], [sflag:$0x5] =	stream.indirect_vreg.gather [hbm4b:s7+s4], $0x80, v4, vm0, $0xb8;
	[tilespmem:$0x1E100] =	vst v63  }
0x26b: {  	s23 =	simm.s32 $0x14100  }
0x26c: {  	[tilespmem:s23], [sflag:$0x5] =	stream.indirect_vreg.gather [hbm4b:s2+s4], $0x80, v3, vm0, $0xb8;
	[tilespmem:$0x1E100] =	vst v63  }
0x26d: {  	s23 =	simm.s32 $0x14900  }
0x26e: {  	[tilespmem:s23], [sflag:$0x5] =	stream.indirect_vreg.gather [hbm4b:s5+s4], $0x80, v3, vm0, $0xb8;
	[tilespmem:$0x1E100] =	vst v63  }
0x26f: {  	s23 =	simm.s32 $0x15100  }
0x270: {  	[tilespmem:s23], [sflag:$0x5] =	stream.indirect_vreg.gather [hbm4b:s6+s4], $0x80, v3, vm0, $0xb8;
	[tilespmem:$0x1E100] =	vst v63  }
0x271: {  	s23 =	simm.s32 $0x15900  }
0x272: {  	[tilespmem:s23], [sflag:$0x5] =	stream.indirect_vreg.gather [hbm4b:s7+s4], $0x80, v3, vm0, $0xb8;
	[tilespmem:$0x1E100] =	vst v63  }
0x273: {  	_ =	swait.ge [sflag:s3], $0x2000  }
0x274: {  	[sflag:s3] =	ssyncset.done $0x0  }
0x275: {  	[sflag:s3] =	ssyncadd.s32 $0xFFFFE000  }
0x276: {  	_ =	swait.ge [sflag:s11], $0x8000  }
0x277: {  	[sflag:s11] =	ssyncset.done $0x0  }
0x278: {  	s3 =	rddreg [dreg:$0x11];
	[sflag:s11] =	ssyncadd.s32 $0xFFFF8000;
	s11 =	simm.s32 $0x4100  }
0x279: {  	[hbm4b:s3+s4] =	stream.linear.scatter [tilespmem:s11], [sflag:$0x9], $0x2000, $0x38;
	[tilespmem:$0x1E100] =	vst v63  }
0x27a: {  	s21 =	simm.s32 $0x16100;
	s23 =	rddreg [dreg:$0x12]  }
0x27b: {  	[hbm4b:s23+s4] =	stream.linear.scatter [tilespmem:s21], [sflag:$0xC], $0x8000, $0x38;
	[tilespmem:$0x1E100] =	vst v63  }
0x27c: {  	_ =	swait.ge [sflag:s24], $0x2000  }
0x27d: {  	[sflag:s24] =	ssyncset.done $0x0  }
0x27e: {  	[sflag:s24] =	ssyncadd.s32 $0xFFFFE000  }
0x27f: {  	_ =	swait.ge [sflag:s0], $0x8000  }
0x280: {  	[sflag:s0] =	ssyncset.done $0x0  }
0x281: {  	s23 =	rddreg [dreg:$0x13];
	[sflag:s0] =	ssyncadd.s32 $0xFFFF8000  }
0x282: {  	[hbm4b:s23+s4] =	stream.linear.scatter [tilespmem:s14], [sflag:$0x7], $0x2000, $0x38;
	[tilespmem:$0x1E100] =	vst v63  }
0x283: {  	s3 =	rddreg [dreg:$0x14]  }
0x284: {  	[hbm4b:s3+s4] =	stream.linear.scatter [tilespmem:s31], [sflag:$0xA], $0x8000, $0x38;
	[tilespmem:$0x1E100] =	vst v63  }
0x285: {  	_ =	swait.ge [sflag:s13], $0x2000  }
0x286: {  	[sflag:s13] =	ssyncset.done $0x0  }
0x287: {  	[sflag:s13] =	ssyncadd.s32 $0xFFFFE000  }
0x288: {  	_ =	swait.ge [sflag:s15], $0x8000  }
0x289: {  	[sflag:s15] =	ssyncset.done $0x0  }
0x28a: {  	s11 =	rddreg [dreg:$0x15];
	[sflag:s15] =	ssyncadd.s32 $0xFFFF8000  }
0x28b: {  	[hbm4b:s11+s4] =	stream.linear.scatter [tilespmem:s10], [sflag:$0x8], $0x2000, $0x38;
	[tilespmem:$0x1E100] =	vst v63  }
0x28c: {  	s21 =	rddreg [dreg:$0x16]  }
0x28d: {  	[hbm4b:s21+s4] =	stream.linear.scatter [tilespmem:s18], [sflag:$0xB], $0x8000, $0x38;
	[tilespmem:$0x1E100] =	vst v63  }
0x28e: {  	_ =	swait.ge [sflag:s19], $0x2000  }
0x28f: {  	[sflag:s19] =	ssyncset.done $0x0  }
0x290: {  	[sflag:s19] =	ssyncadd.s32 $0xFFFFE000  }
0x291: {  	_ =	swait.ge [sflag:s20], $0x8000  }
0x292: {  	[sflag:s20] =	ssyncset.done $0x0  }
0x293: {  	[sflag:s20] =	ssyncadd.s32 $0xFFFF8000  }
0x294: {  	_ =	swait.ge [sflag:s9], $0x2000  }
0x295: {  	[sflag:s9] =	ssyncset.done $0x0  }
0x296: {  	[sflag:s9] =	ssyncadd.s32 $0xFFFFE000  }
0x297: {  	_ =	swait.ge [sflag:s12], $0x8000  }
0x298: {  	[sflag:s12] =	ssyncset.done $0x0  }
0x299: {  	[sflag:s12] =	ssyncadd.s32 $0xFFFF8000  }
0x29a: {  	p0 =	sne.s32 s8, $0x1;
	_ =	swait.ge [sflag:s16], $0x2000  }
.Ltmp0:
0x29b: {  	[sflag:s16] =	ssyncset.done $0x0;
	(pc) =	sbr.rel @p0 .LBB2_1-.Ltmp0, $4  }
0x29c: {  	[sflag:s16] =	ssyncadd.s32 $0xFFFFE000  }
0x29d: {  	_ =	swait.ge [sflag:s17], $0x8000  }
0x29e: {  	[sflag:s17] =	ssyncset.done $0x0  }
0x29f: {  	s8 =	sadd.s32 $0xFFFFFFFF, s8;
	[sflag:s17] =	ssyncadd.s32 $0xFFFF8000  }
0x2a0: {  	_ =	sfence.sel $0x180000  }
0x2a1: {  	[bflag:$0x0] =	sbarrier.arrive $0xFFFF  }
0x2a2: {  	_ =	strace $0x90000047  }
0x2a3: {  	s0 =	stileid.u32;
	[bflag:$0x2] =	sbarrier.arrive $0xFFFF  }
0x2a4: {  	p0 =	sne.s32 s0, $0x0;
	s0 =	rddreg [dreg:$0x5]  }
0x2a5: {  	s0 =	sadd.s32 @!p0 $0x100000, s0  }
0x2a6: {  	[sflag:s0] =	ssyncadd.tile.s32 @!p0 $0x1;
	_ =	shalt  }
.Lfunc_end2:
_tile_overlayer_lowered:
.L_overlay_start_2:
0x2a7: {  	(tag) =	ssettag $0x2  }
0x2a8: {  	s0 =	rddreg [dreg:$0x0];
	s2 =	stileid.u32  }
0x2a9: {  	s1 =	rddreg [dreg:$0x1];
	p0 =	sne.s32 s2, $0x0  }
0x2aa: {  	s3 =	rddreg [dreg:$0x2];
	[bflag:$0x3] =	sbarrier.arrive $0xFFFF;
	s2 =	simm.s32 @!p0 $0x1C0D  }
0x2ab: {  	[timem:s3], [sflag:s2] =	dma.local @!p0 [hbm:s0], s1  }
0x2ac: {  	s0 =	simm.s32 @!p0 $0xD  }
0x2ad: {  	_ =	swait.ge @!p0 [sflag:s0], s1  }
0x2ae: {  	s1 =	ssub.s32 @!p0 $0x0, s1;
	[sflag:s0] =	ssyncset.done @!p0 $0x0  }
0x2af: {  	[sflag:s0] =	ssyncadd.s32 @!p0 s1  }
0x2b0: {  	[bflag:$0x3] =	sbarrier.arrive $0xFFFF  }
0x2b1: {  	_ =	shalt  }

</sc_bundles>
